<compile_context>
chip_gen: v7x
topology: tpu7x:2x2x1
jax: 0.10.2.dev20260603
libtpu: 0.0.44.dev20260713+nightly
codegen_flags: <defaults>
</compile_context>

<pallas_src>
import jax
import jax.numpy as jnp
import numpy as np
from jax import lax
from jax.experimental import pallas as pl
from jax.experimental.pallas import tpu as pltpu
from jax.experimental.pallas import tpu_sc as plsc

N_NODES = 10000
N_EDGES = 320000
D_IN = 128
D_HID = 16

NC = 2
NS = 16
NW = NC * NS
LANES = 16

BE = 128
DW = 8
KBUF = 8
NBLK = 79
NDUP = NW * NBLK - N_EDGES // BE
N_PAD = 10240
STRIPE = N_PAD // NS
EW = NBLK * BE
WIDE = N_PAD * D_HID // 128


def _matmul_body(x_ref, w_ref, y_ref):
    y_ref[0:N_NODES, :] = jnp.dot(x_ref[...], w_ref[...],
                                  preferred_element_type=jnp.float32)
    y_ref[N_NODES:N_PAD, :] = jnp.zeros((N_PAD - N_NODES, D_HID),
                                        jnp.float32)


def _edge_body(y_hbm, ei_hbm, ones_hbm, z16_hbm, z8_hbm,
               agg_out, deg_out,
               src_all, dst_all, dstp, ones_buf, stage_buf, deg_stage, ybuf,
               rows0, rows1, rows2, rows3, rows4, rows5, rows6, rows7,
               sem0, sem1, sem2, sem3, sem4, sem5, sem6, sem7, dsem,
               agg_sh, deg_sh):
    rows = (rows0, rows1, rows2, rows3, rows4, rows5, rows6, rows7)
    sems = (sem0, sem1, sem2, sem3, sem4, sem5, sem6, sem7)
    cid = lax.axis_index("c")
    sid = lax.axis_index("s")
    wid = cid * NS + sid
    trash = N_NODES + wid
    row0 = sid * STRIPE

    last = wid == NW - 1
    base = jnp.where(last, N_EDGES - EW, wid * EW)
    pltpu.sync_copy(ei_hbm.at[0, pl.ds(base, EW)], src_all)
    pltpu.sync_copy(ei_hbm.at[1, pl.ds(base, EW)], dst_all)

    pltpu.sync_copy(ones_hbm, ones_buf)
    pltpu.sync_copy(z16_hbm, stage_buf)
    pltpu.sync_copy(z8_hbm, deg_stage)
    pltpu.sync_copy(stage_buf, agg_sh.at[pl.ds(row0, STRIPE)])
    pltpu.sync_copy(deg_stage, deg_sh.at[pl.ds(row0, STRIPE)])

    def _remap(j, _):
        dup = jnp.where(last, 1, 0) * jnp.where(j < NDUP, 1, 0)
        for i in range(BE // LANES):
            off = j * BE + i * LANES
            s = src_all[pl.ds(off, LANES)]
            d = dst_all[pl.ds(off, LANES)]
            d_eff = d * (1 - dup) + trash * dup
            dstp[j, pl.ds(i * LANES, LANES)] = jnp.where(s == d, trash, d_eff)
        return 0
    lax.fori_loop(0, NBLK, _remap, 0)

    plsc.subcore_barrier()

    for b in range(KBUF):
        pltpu.async_copy(y_hbm.at[src_all.at[pl.ds(b * BE, BE)]],
                         rows[b], sems[b])

    def _group(g, _):
        j0 = g * KBUF
        for b in range(KBUF):
            j = j0 + b

            @pl.when(j < NBLK)
            def _():
                pltpu.make_async_copy(
                    y_hbm.at[src_all.at[pl.ds(j * BE, BE)]],
                    rows[b], sems[b]).wait()
                pltpu.sync_copy(rows[b], agg_sh.at[dstp.at[j]], add=True)
                pltpu.async_copy(ones_buf, deg_sh.at[dstp.at[j]], dsem,
                                 add=True)
                nj = j + KBUF

                @pl.when(nj < NBLK)
                def _():
                    pltpu.async_copy(
                        y_hbm.at[src_all.at[pl.ds(nj * BE, BE)]],
                        rows[b], sems[b])
        return 0

    lax.fori_loop(0, (NBLK + KBUF - 1) // KBUF, _group, 0)

    def _drain(j, _):
        pltpu.make_async_copy(ones_buf, deg_sh.at[dstp.at[0]], dsem).wait()
        return 0
    lax.fori_loop(0, NBLK, _drain, 0)

    plsc.subcore_barrier()

    pltpu.sync_copy(agg_sh.at[pl.ds(row0, STRIPE)], stage_buf)

    @pl.when(cid == 0)
    def _():
        pltpu.sync_copy(y_hbm.at[pl.ds(row0, STRIPE)], ybuf)

        def _addy(i, _):
            stage_buf[i, :] = stage_buf[i, :] + ybuf[i, :]
            return 0
        lax.fori_loop(0, STRIPE, _addy, 0)

    pltpu.sync_copy(stage_buf, agg_out.at[cid, pl.ds(row0, STRIPE)])
    pltpu.sync_copy(deg_sh.at[pl.ds(row0, STRIPE)], deg_stage)
    pltpu.sync_copy(deg_stage,
                    deg_out.at[cid, pl.ds(row0, STRIPE), pl.ds(0, DW)])
    pltpu.sync_copy(deg_stage,
                    deg_out.at[cid, pl.ds(row0, STRIPE), pl.ds(DW, DW)])


def _post_body(agg_ref, deg_ref, lab_ref, wt_ref,
               bfw_ref, w1b_ref, b1w_ref, w2b_ref, b2w_ref,
               p_ref, loss_ref):
    agg = agg_ref[0] + agg_ref[1]
    deg = deg_ref[0] + deg_ref[1] + 1.0
    h = agg / deg + bfw_ref[...]
    h = jnp.maximum(h, 0.0)
    h2 = jnp.dot(h, w1b_ref[...], preferred_element_type=jnp.float32)
    h2 = jnp.maximum(h2 + b1w_ref[...], 0.0)
    z = jnp.dot(h2, w2b_ref[...], preferred_element_type=jnp.float32)
    z = z + b2w_ref[...]
    z_t = jnp.swapaxes(z, 0, 1)
    p = jax.nn.sigmoid(z_t)
    log_p = jnp.clip(jnp.log(p), -100.0)
    log_1mp = jnp.clip(jnp.log(1.0 - p), -100.0)
    lab = lab_ref[...]
    per = wt_ref[...] * -(lab * log_p + (1.0 - lab) * log_1mp)
    sub = lax.broadcasted_iota(jnp.int32, (8, WIDE), 0)
    lane = lax.broadcasted_iota(jnp.int32, (8, WIDE), 1)
    node = lane * 8 + sub
    per = jnp.where(node < N_NODES, per, 0.0)
    p_ref[...] = p
    loss_ref[...] = (jnp.sum(per) / N_NODES).reshape(1, 1)


def kernel(in_, edge_index, labels, weights, W_feast, U, c, b_feast,
           W1, b1, W2, b2):
    del U, c

    y_pad = pl.pallas_call(
        _matmul_body,
        out_shape=jax.ShapeDtypeStruct((N_PAD, D_HID), jnp.float32),
    )(in_, W_feast)

    ei32 = edge_index.astype(jnp.int32)

    mesh = plsc.VectorSubcoreMesh(core_axis_name="c", subcore_axis_name="s",
                                  num_cores=NC, num_subcores=NS)
    agg_parts, deg_parts = pl.kernel(
        _edge_body,
        out_type=[
            jax.ShapeDtypeStruct((NC, N_PAD, D_HID), jnp.float32),
            jax.ShapeDtypeStruct((NC, N_PAD, 2 * DW), jnp.float32),
        ],
        mesh=mesh,
        compiler_params=pltpu.CompilerParams(use_tc_tiling_on_sc=False),
        scratch_types=[
            pltpu.VMEM((EW,), jnp.int32),
            pltpu.VMEM((EW,), jnp.int32),
            pltpu.VMEM((NBLK, BE), jnp.int32),
            pltpu.VMEM((BE, DW), jnp.float32),
            pltpu.VMEM((STRIPE, D_HID), jnp.float32),
            pltpu.VMEM((STRIPE, DW), jnp.float32),
            pltpu.VMEM((STRIPE, D_HID), jnp.float32),
        ] + [pltpu.VMEM((BE, D_HID), jnp.float32)] * KBUF
          + [pltpu.SemaphoreType.DMA] * (KBUF + 1)
          + [
            pltpu.VMEM_SHARED((N_PAD, D_HID), jnp.float32),
            pltpu.VMEM_SHARED((N_PAD, DW), jnp.float32),
        ],
    )(y_pad, ei32,
      np.ones((BE, DW), np.float32),
      np.zeros((STRIPE, D_HID), np.float32),
      np.zeros((STRIPE, DW), np.float32))

    agg_w = agg_parts.reshape(NC, WIDE, 128)
    deg_w = deg_parts.reshape(NC, WIDE, 128)

    def _perm(v):
        vp = jnp.zeros((N_PAD,), jnp.float32).at[:N_NODES].set(v[:, 0])
        return vp.reshape(WIDE, 8).T

    lab_t = _perm(labels)
    wt_t = _perm(weights)

    eye8 = jnp.eye(8, dtype=jnp.float32)
    w1b = jnp.kron(eye8, W1)
    w2b = jnp.kron(eye8, W2)
    bfw = jnp.tile(b_feast, 8).reshape(1, 128)
    b1w = jnp.tile(b1, 8).reshape(1, 64)
    b2w = jnp.tile(b2, 8).reshape(1, 8)

    p_t, loss_out = pl.pallas_call(
        _post_body,
        out_shape=[
            jax.ShapeDtypeStruct((8, WIDE), jnp.float32),
            jax.ShapeDtypeStruct((1, 1), jnp.float32),
        ],
    )(agg_w, deg_w, lab_t, wt_t, bfw, w1b, b1w, w2b, b2w)

    p = p_t.T.reshape(N_PAD, 1)[:N_NODES]
    return loss_out[0, 0], p

# --- scband reference (transcript-rebuilt; emitter-appended) ---
"""Pipeline reference for scband-one-conv-21337397526624 (READ-ONLY COPY).

The authoritative reference and input builder live on the scoring server;
editing this copy changes nothing except your own understanding.
"""

import jax, jax.numpy as jnp
import numpy as np

N_NODES = 10000
N_EDGES = 320000
D_IN = 128
HEADS = 1
D_HID = 16


def setup_inputs(seed: int = 0):
    key = jax.random.key(seed)
    ks = jax.random.split(key, 12)
    inp = {}
    inp["in_"] = jax.random.normal(ks[0], (N_NODES, D_IN), dtype=jnp.float32)
    inp["edge_index"] = jax.random.randint(ks[1], (2, N_EDGES), 0, N_NODES)
    inp["labels"] = jax.random.uniform(ks[2], (N_NODES, 1), dtype=jnp.float32)
    inp["weights"] = jax.random.uniform(ks[3], (N_NODES, 1), dtype=jnp.float32)
    # FeaStConv(128 -> 16, heads=1) parameters
    inp["W_feast"] = jax.random.normal(ks[4], (D_IN, HEADS * D_HID), dtype=jnp.float32) * 0.05
    inp["U"] = jax.random.normal(ks[5], (D_IN, HEADS), dtype=jnp.float32) * 0.05
    inp["c"] = jnp.zeros((HEADS,), dtype=jnp.float32)
    inp["b_feast"] = jnp.zeros((D_HID,), dtype=jnp.float32)
    # lin1: 16 -> 8
    inp["W1"] = jax.random.normal(ks[6], (16, 8), dtype=jnp.float32) * 0.2
    inp["b1"] = jnp.zeros((8,), dtype=jnp.float32)
    # out: 8 -> 1
    inp["W2"] = jax.random.normal(ks[7], (8, 1), dtype=jnp.float32) * 0.2
    inp["b2"] = jnp.zeros((1,), dtype=jnp.float32)
    return inp


def _prep_edges(edge_index, n):
    # PyG FeaStConv: remove_self_loops then add_self_loops
    src, dst = edge_index[0], edge_index[1]
    keep = (src != dst).astype(jnp.float32)
    loop = jnp.arange(n, dtype=src.dtype)
    loop_keep = jnp.ones((n,), dtype=jnp.float32)
    return (
        jnp.concatenate([src, loop]),
        jnp.concatenate([dst, loop]),
        jnp.concatenate([keep, loop_keep]),
    )


def _feast_conv(x, W_feast, U, c, b_feast, src, dst, w):
    x_i = x[dst]  # target nodes
    x_j = x[src]  # source nodes
    # q_h = softmax_h(u_h^T (x_j - x_i) + c_h)  (translation-invariant form)
    q = jax.nn.softmax((x_j - x_i) @ U + c, axis=1)  # [E, heads]
    xj = (x_j @ W_feast).reshape(-1, HEADS, D_HID)  # [E, heads, out]
    msg = (xj * q[:, :, None]).sum(axis=1)  # [E, out]
    msg = msg * w[:, None]
    ones = w.astype(msg.dtype)
    deg = jax.ops.segment_sum(ones, dst, num_segments=N_NODES)
    agg = jax.ops.segment_sum(msg, dst, num_segments=N_NODES)
    out = agg / jnp.clip(deg, 1.0)[:, None]  # mean aggregation
    return out + b_feast


def _forward(in_, labels, weights, W_feast, U, c, b_feast, W1, b1, W2, b2, src, dst, w):
    x = _feast_conv(in_, W_feast, U, c, b_feast, src, dst, w)
    x = jax.nn.relu(x)
    x = x @ W1 + b1
    x = jax.nn.relu(x)
    x = x @ W2 + b2
    p = jax.nn.sigmoid(x)
    # F.binary_cross_entropy with weight, mean reduction (torch clamps log at -100)
    log_p = jnp.clip(jnp.log(p), -100.0)
    log_1mp = jnp.clip(jnp.log(1.0 - p), -100.0)
    loss = jnp.mean(weights * -(labels * log_p + (1.0 - labels) * log_1mp))
    return loss, p


def reference(in_, edge_index, labels, weights, W_feast, U, c, b_feast, W1, b1, W2, b2):
    src, dst, w = _prep_edges(edge_index, in_.shape[0])
    return _forward(in_, labels, weights, W_feast, U, c, b_feast, W1, b1, W2, b2, src, dst, w)

if __name__ == "__main__":
    import jax
    _d = setup_inputs()
    print(jax.jit(kernel)(*tuple(_d.values())))

</pallas_src>

<mosaic_0001>
#map = affine_map<(d0, d1) -> (0, 0)>
#map1 = affine_map<(d0, d1) -> (0, 0, 0)>
module attributes {stable_mosaic.version = 14 : i64} {
  func.func @_edge_body(%arg0: i32, %arg1: i32, %arg2: memref<10240x16xf32, #tpu.memory_space<hbm>>, %arg3: memref<2x320000xi32, #tpu.memory_space<hbm>>, %arg4: memref<128x8xf32, #tpu.memory_space<hbm>>, %arg5: memref<640x16xf32, #tpu.memory_space<hbm>>, %arg6: memref<640x8xf32, #tpu.memory_space<hbm>>, %arg7: memref<2x10240x16xf32, #tpu.memory_space<hbm>>, %arg8: memref<2x10240x16xf32, #tpu.memory_space<hbm>>, %arg9: memref<10112xi32, #tpu.memory_space<vmem>>, %arg10: memref<10112xi32, #tpu.memory_space<vmem>>, %arg11: memref<79x128xi32, #tpu.memory_space<vmem>>, %arg12: memref<128x8xf32, #tpu.memory_space<vmem>>, %arg13: memref<640x16xf32, #tpu.memory_space<vmem>>, %arg14: memref<640x8xf32, #tpu.memory_space<vmem>>, %arg15: memref<640x16xf32, #tpu.memory_space<vmem>>, %arg16: memref<128x16xf32, #tpu.memory_space<vmem>>, %arg17: memref<128x16xf32, #tpu.memory_space<vmem>>, %arg18: memref<128x16xf32, #tpu.memory_space<vmem>>, %arg19: memref<128x16xf32, #tpu.memory_space<vmem>>, %arg20: memref<128x16xf32, #tpu.memory_space<vmem>>, %arg21: memref<128x16xf32, #tpu.memory_space<vmem>>, %arg22: memref<128x16xf32, #tpu.memory_space<vmem>>, %arg23: memref<128x16xf32, #tpu.memory_space<vmem>>, %arg24: memref<!tpu.dma_semaphore, #tpu.memory_space<semaphore_mem>>, %arg25: memref<!tpu.dma_semaphore, #tpu.memory_space<semaphore_mem>>, %arg26: memref<!tpu.dma_semaphore, #tpu.memory_space<semaphore_mem>>, %arg27: memref<!tpu.dma_semaphore, #tpu.memory_space<semaphore_mem>>, %arg28: memref<!tpu.dma_semaphore, #tpu.memory_space<semaphore_mem>>, %arg29: memref<!tpu.dma_semaphore, #tpu.memory_space<semaphore_mem>>, %arg30: memref<!tpu.dma_semaphore, #tpu.memory_space<semaphore_mem>>, %arg31: memref<!tpu.dma_semaphore, #tpu.memory_space<semaphore_mem>>, %arg32: memref<!tpu.dma_semaphore, #tpu.memory_space<semaphore_mem>>, %arg33: memref<10240x16xf32, #tpu.memory_space<vmem_shared>>, %arg34: memref<10240x8xf32, #tpu.memory_space<vmem_shared>>) attributes {dimension_semantics = [#tpu.dimension_semantics<core_parallel>, #tpu.dimension_semantics<subcore_parallel>], iteration_bounds = array<i64: 2, 16>, scalar_prefetch = 0 : i64, scratch_operands = 26 : i64, tpu.core_type = #tpu.core_type<sc_vector_subcore>, window_params = [{transform_indices = #map}, {transform_indices = #map}, {transform_indices = #map}, {transform_indices = #map}, {transform_indices = #map}, {transform_indices = #map1}, {transform_indices = #map1}]} {
    %mul3A = arith.constant 16 : i32
    %mul3A_0 = arith.muli %arg0, %mul3A : i32
    %add3A = arith.addi %mul3A_0, %arg1 : i32
    %add3A_1 = arith.constant 10000 : i32
    %add3A_2 = arith.addi %add3A_1, %add3A : i32
    %mul3A_3 = arith.constant 640 : i32
    %mul3A_4 = arith.muli %arg1, %mul3A_3 : i32
    %eq3A = arith.constant 31 : i32
    %eq3A_5 = arith.cmpi eq, %add3A, %eq3A : i32
    %mul3A_6 = arith.constant 10112 : i32
    %mul3A_7 = arith.muli %add3A, %mul3A_6 : i32
    %jit3A = arith.constant 309888 : i32
    %select_n3A = arith.select %eq3A_5, %jit3A, %mul3A_7 : i32
    %run_scoped3A = arith.constant 0 : i32
    "tpu.region"() ({
      %run_scoped3A_72 = tpu.sem_alloc : memref<!tpu.dma_semaphore, #tpu.memory_space<semaphore_mem>>
      %dma_start3A_73 = tpu.memref_slice %arg3[%run_scoped3A, %select_n3A] : memref<2x320000xi32, #tpu.memory_space<hbm>> -> memref<1x10112xi32, #tpu.memory_space<hbm>>
      %dma_start3A_74 = tpu.memref_squeeze %dma_start3A_73 : memref<1x10112xi32, #tpu.memory_space<hbm>> -> memref<10112xi32, #tpu.memory_space<hbm>>
      %dma_start3A_75 = tpu.memref_slice %arg3[%run_scoped3A, %select_n3A] : memref<2x320000xi32, #tpu.memory_space<hbm>> -> memref<1x10112xi32, #tpu.memory_space<hbm>>
      %dma_start3A_76 = tpu.memref_squeeze %dma_start3A_75 : memref<1x10112xi32, #tpu.memory_space<hbm>> -> memref<10112xi32, #tpu.memory_space<hbm>>
      tpu.enqueue_dma source(%dma_start3A_76 : memref<10112xi32, #tpu.memory_space<hbm>>) target(%arg9 : memref<10112xi32, #tpu.memory_space<vmem>>) target_semaphore(%run_scoped3A_72 : memref<!tpu.dma_semaphore, #tpu.memory_space<semaphore_mem>>)
      %dma_wait3A = tpu.memref_slice %arg3[%run_scoped3A, %select_n3A] : memref<2x320000xi32, #tpu.memory_space<hbm>> -> memref<1x10112xi32, #tpu.memory_space<hbm>>
      %dma_wait3A_77 = tpu.memref_squeeze %dma_wait3A : memref<1x10112xi32, #tpu.memory_space<hbm>> -> memref<10112xi32, #tpu.memory_space<hbm>>
      %dma_wait3A_78 = tpu.memref_slice %arg3[%run_scoped3A, %select_n3A] : memref<2x320000xi32, #tpu.memory_space<hbm>> -> memref<1x10112xi32, #tpu.memory_space<hbm>>
      %dma_wait3A_79 = tpu.memref_squeeze %dma_wait3A_78 : memref<1x10112xi32, #tpu.memory_space<hbm>> -> memref<10112xi32, #tpu.memory_space<hbm>>
      tpu.wait_dma2 semaphore(%run_scoped3A_72 : memref<!tpu.dma_semaphore, #tpu.memory_space<semaphore_mem>>) src(%dma_wait3A_79 : memref<10112xi32, #tpu.memory_space<hbm>>) dst(%arg9 : memref<10112xi32, #tpu.memory_space<vmem>>)
      tpu.yield
    }) : () -> ()
    %run_scoped3A_8 = arith.constant 1 : i32
    "tpu.region"() ({
      %run_scoped3A_72 = tpu.sem_alloc : memref<!tpu.dma_semaphore, #tpu.memory_space<semaphore_mem>>
      %dma_start3A_73 = tpu.memref_slice %arg3[%run_scoped3A_8, %select_n3A] : memref<2x320000xi32, #tpu.memory_space<hbm>> -> memref<1x10112xi32, #tpu.memory_space<hbm>>
      %dma_start3A_74 = tpu.memref_squeeze %dma_start3A_73 : memref<1x10112xi32, #tpu.memory_space<hbm>> -> memref<10112xi32, #tpu.memory_space<hbm>>
      %dma_start3A_75 = tpu.memref_slice %arg3[%run_scoped3A_8, %select_n3A] : memref<2x320000xi32, #tpu.memory_space<hbm>> -> memref<1x10112xi32, #tpu.memory_space<hbm>>
      %dma_start3A_76 = tpu.memref_squeeze %dma_start3A_75 : memref<1x10112xi32, #tpu.memory_space<hbm>> -> memref<10112xi32, #tpu.memory_space<hbm>>
      tpu.enqueue_dma source(%dma_start3A_76 : memref<10112xi32, #tpu.memory_space<hbm>>) target(%arg10 : memref<10112xi32, #tpu.memory_space<vmem>>) target_semaphore(%run_scoped3A_72 : memref<!tpu.dma_semaphore, #tpu.memory_space<semaphore_mem>>)
      %dma_wait3A = tpu.memref_slice %arg3[%run_scoped3A_8, %select_n3A] : memref<2x320000xi32, #tpu.memory_space<hbm>> -> memref<1x10112xi32, #tpu.memory_space<hbm>>
      %dma_wait3A_77 = tpu.memref_squeeze %dma_wait3A : memref<1x10112xi32, #tpu.memory_space<hbm>> -> memref<10112xi32, #tpu.memory_space<hbm>>
      %dma_wait3A_78 = tpu.memref_slice %arg3[%run_scoped3A_8, %select_n3A] : memref<2x320000xi32, #tpu.memory_space<hbm>> -> memref<1x10112xi32, #tpu.memory_space<hbm>>
      %dma_wait3A_79 = tpu.memref_squeeze %dma_wait3A_78 : memref<1x10112xi32, #tpu.memory_space<hbm>> -> memref<10112xi32, #tpu.memory_space<hbm>>
      tpu.wait_dma2 semaphore(%run_scoped3A_72 : memref<!tpu.dma_semaphore, #tpu.memory_space<semaphore_mem>>) src(%dma_wait3A_79 : memref<10112xi32, #tpu.memory_space<hbm>>) dst(%arg10 : memref<10112xi32, #tpu.memory_space<vmem>>)
      tpu.yield
    }) : () -> ()
    "tpu.region"() ({
      %run_scoped3A_72 = tpu.sem_alloc : memref<!tpu.dma_semaphore, #tpu.memory_space<semaphore_mem>>
      tpu.enqueue_dma source(%arg4 : memref<128x8xf32, #tpu.memory_space<hbm>>) target(%arg12 : memref<128x8xf32, #tpu.memory_space<vmem>>) target_semaphore(%run_scoped3A_72 : memref<!tpu.dma_semaphore, #tpu.memory_space<semaphore_mem>>)
      tpu.wait_dma2 semaphore(%run_scoped3A_72 : memref<!tpu.dma_semaphore, #tpu.memory_space<semaphore_mem>>) src(%arg4 : memref<128x8xf32, #tpu.memory_space<hbm>>) dst(%arg12 : memref<128x8xf32, #tpu.memory_space<vmem>>)
      tpu.yield
    }) : () -> ()
    "tpu.region"() ({
      %run_scoped3A_72 = tpu.sem_alloc : memref<!tpu.dma_semaphore, #tpu.memory_space<semaphore_mem>>
      tpu.enqueue_dma source(%arg5 : memref<640x16xf32, #tpu.memory_space<hbm>>) target(%arg13 : memref<640x16xf32, #tpu.memory_space<vmem>>) target_semaphore(%run_scoped3A_72 : memref<!tpu.dma_semaphore, #tpu.memory_space<semaphore_mem>>)
      tpu.wait_dma2 semaphore(%run_scoped3A_72 : memref<!tpu.dma_semaphore, #tpu.memory_space<semaphore_mem>>) src(%arg5 : memref<640x16xf32, #tpu.memory_space<hbm>>) dst(%arg13 : memref<640x16xf32, #tpu.memory_space<vmem>>)
      tpu.yield
    }) : () -> ()
    "tpu.region"() ({
      %run_scoped3A_72 = tpu.sem_alloc : memref<!tpu.dma_semaphore, #tpu.memory_space<semaphore_mem>>
      tpu.enqueue_dma source(%arg6 : memref<640x8xf32, #tpu.memory_space<hbm>>) target(%arg14 : memref<640x8xf32, #tpu.memory_space<vmem>>) target_semaphore(%run_scoped3A_72 : memref<!tpu.dma_semaphore, #tpu.memory_space<semaphore_mem>>)
      tpu.wait_dma2 semaphore(%run_scoped3A_72 : memref<!tpu.dma_semaphore, #tpu.memory_space<semaphore_mem>>) src(%arg6 : memref<640x8xf32, #tpu.memory_space<hbm>>) dst(%arg14 : memref<640x8xf32, #tpu.memory_space<vmem>>)
      tpu.yield
    }) : () -> ()
    "tpu.region"() ({
      %run_scoped3A_72 = tpu.sem_alloc : memref<!tpu.dma_semaphore, #tpu.memory_space<semaphore_mem>>
      %dma_start3A_73 = arith.constant 0 : i32
      %dma_start3A_74 = tpu.memref_slice %arg33[%mul3A_4, %dma_start3A_73] : memref<10240x16xf32, #tpu.memory_space<vmem_shared>> -> memref<640x16xf32, #tpu.memory_space<vmem_shared>>
      %dma_start3A_75 = arith.constant 0 : i32
      %dma_start3A_76 = tpu.memref_slice %arg33[%mul3A_4, %dma_start3A_75] : memref<10240x16xf32, #tpu.memory_space<vmem_shared>> -> memref<640x16xf32, #tpu.memory_space<vmem_shared>>
      tpu.enqueue_dma source(%arg13 : memref<640x16xf32, #tpu.memory_space<vmem>>) target(%dma_start3A_76 : memref<640x16xf32, #tpu.memory_space<vmem_shared>>) target_semaphore(%run_scoped3A_72 : memref<!tpu.dma_semaphore, #tpu.memory_space<semaphore_mem>>)
      %dma_wait3A = arith.constant 0 : i32
      %dma_wait3A_77 = tpu.memref_slice %arg33[%mul3A_4, %dma_wait3A] : memref<10240x16xf32, #tpu.memory_space<vmem_shared>> -> memref<640x16xf32, #tpu.memory_space<vmem_shared>>
      %dma_wait3A_78 = arith.constant 0 : i32
      %dma_wait3A_79 = tpu.memref_slice %arg33[%mul3A_4, %dma_wait3A_78] : memref<10240x16xf32, #tpu.memory_space<vmem_shared>> -> memref<640x16xf32, #tpu.memory_space<vmem_shared>>
      tpu.wait_dma2 semaphore(%run_scoped3A_72 : memref<!tpu.dma_semaphore, #tpu.memory_space<semaphore_mem>>) src(%arg13 : memref<640x16xf32, #tpu.memory_space<vmem>>) dst(%dma_wait3A_79 : memref<640x16xf32, #tpu.memory_space<vmem_shared>>)
      tpu.yield
    }) : () -> ()
    "tpu.region"() ({
      %run_scoped3A_72 = tpu.sem_alloc : memref<!tpu.dma_semaphore, #tpu.memory_space<semaphore_mem>>
      %dma_start3A_73 = arith.constant 0 : i32
      %dma_start3A_74 = tpu.memref_slice %arg34[%mul3A_4, %dma_start3A_73] : memref<10240x8xf32, #tpu.memory_space<vmem_shared>> -> memref<640x8xf32, #tpu.memory_space<vmem_shared>>
      %dma_start3A_75 = arith.constant 0 : i32
      %dma_start3A_76 = tpu.memref_slice %arg34[%mul3A_4, %dma_start3A_75] : memref<10240x8xf32, #tpu.memory_space<vmem_shared>> -> memref<640x8xf32, #tpu.memory_space<vmem_shared>>
      tpu.enqueue_dma source(%arg14 : memref<640x8xf32, #tpu.memory_space<vmem>>) target(%dma_start3A_76 : memref<640x8xf32, #tpu.memory_space<vmem_shared>>) target_semaphore(%run_scoped3A_72 : memref<!tpu.dma_semaphore, #tpu.memory_space<semaphore_mem>>)
      %dma_wait3A = arith.constant 0 : i32
      %dma_wait3A_77 = tpu.memref_slice %arg34[%mul3A_4, %dma_wait3A] : memref<10240x8xf32, #tpu.memory_space<vmem_shared>> -> memref<640x8xf32, #tpu.memory_space<vmem_shared>>
      %dma_wait3A_78 = arith.constant 0 : i32
      %dma_wait3A_79 = tpu.memref_slice %arg34[%mul3A_4, %dma_wait3A_78] : memref<10240x8xf32, #tpu.memory_space<vmem_shared>> -> memref<640x8xf32, #tpu.memory_space<vmem_shared>>
      tpu.wait_dma2 semaphore(%run_scoped3A_72 : memref<!tpu.dma_semaphore, #tpu.memory_space<semaphore_mem>>) src(%arg14 : memref<640x8xf32, #tpu.memory_space<vmem>>) dst(%dma_wait3A_79 : memref<640x8xf32, #tpu.memory_space<vmem_shared>>)
      tpu.yield
    }) : () -> ()
    %scan3A = arith.constant 0 : i32
    %scan3A_9 = arith.constant 0 : i32
    %scan3A_10 = arith.constant 79 : i32
    %scan3A_11 = arith.addi %scan3A_9, %scan3A_10 : i32
    %scan3A_12 = arith.constant 1 : i32
    %scan3A_13 = scf.for %scan3A_72 = %scan3A_9 to %scan3A_11 step %scan3A_12 iter_args(%scan3A_73 = %scan3A) -> (i32)  : i32 {
      %jit3A_74 = arith.constant 1 : i32
      %jit3A_75 = arith.constant 0 : i32
      %select_n3A_76 = arith.select %eq3A_5, %jit3A_74, %jit3A_75 : i32
      %lt3A = arith.constant 28 : i32
      %lt3A_77 = arith.cmpi slt, %scan3A_72, %lt3A : i32
      %jit3A_78 = arith.constant 1 : i32
      %jit3A_79 = arith.constant 0 : i32
      %select_n3A_80 = arith.select %lt3A_77, %jit3A_78, %jit3A_79 : i32
      %mul3A_81 = arith.muli %select_n3A_76, %select_n3A_80 : i32
      %mul3A_82 = arith.constant 128 : i32
      %mul3A_83 = arith.muli %scan3A_72, %mul3A_82 : i32
      %add3A_84 = arith.constant 0 : i32
      %add3A_85 = arith.addi %mul3A_83, %add3A_84 : i32
      %get3A = arith.index_cast %add3A_85 : i32 to index
      %get3A_86 = tpu.vector_load %arg9[%get3A] {strides = array<i32>} : memref<10112xi32, #tpu.memory_space<vmem>>, vector<16xi32>,
      %get3A_87 = vector.shape_cast %get3A_86 : vector<16xi32> to vector<16xi32>
      %get3A_88 = arith.index_cast %add3A_85 : i32 to index
      %get3A_89 = tpu.vector_load %arg10[%get3A_88] {strides = array<i32>} : memref<10112xi32, #tpu.memory_space<vmem>>, vector<16xi32>,
      %get3A_90 = vector.shape_cast %get3A_89 : vector<16xi32> to vector<16xi32>
      %sub3A = arith.constant 1 : i32
      %sub3A_91 = arith.subi %sub3A, %mul3A_81 : i32
      %mul3A_92 = vector.broadcast %sub3A_91 : i32 to vector<16xi32>
      %mul3A_93 = arith.muli %get3A_90, %mul3A_92 : vector<16xi32>
      %mul3A_94 = arith.muli %add3A_2, %mul3A_81 : i32
      %add3A_95 = vector.broadcast %mul3A_94 : i32 to vector<16xi32>
      %add3A_96 = arith.addi %mul3A_93, %add3A_95 : vector<16xi32>
      %eq3A_97 = arith.cmpi eq, %get3A_87, %get3A_90 : vector<16xi32>
      %broadcast_in_dim3A = vector.broadcast %add3A_2 : i32 to vector<16xi32>
      %select_n3A_98 = arith.select %eq3A_97, %broadcast_in_dim3A, %add3A_96 : vector<16xi1>, vector<16xi32>
      %swap3A = arith.index_cast %scan3A_72 : i32 to index
      %swap3A_99 = arith.constant 0 : index
      %swap3A_100 = tpu.vector_load %arg11[%swap3A, %swap3A_99] {strides = array<i32>} : memref<79x128xi32, #tpu.memory_space<vmem>>, vector<1x16xi32>,
      %swap3A_101 = vector.shape_cast %swap3A_100 : vector<1x16xi32> to vector<16xi32>
      %swap3A_102 = vector.shape_cast %select_n3A_98 : vector<16xi32> to vector<1x16xi32>
      tpu.vector_store %arg11[%swap3A, %swap3A_99], %swap3A_102 {strides = array<i32>} : memref<79x128xi32, #tpu.memory_space<vmem>>, vector<1x16xi32>,
      %mul3A_103 = arith.constant 128 : i32
      %mul3A_104 = arith.muli %scan3A_72, %mul3A_103 : i32
      %add3A_105 = arith.constant 16 : i32
      %add3A_106 = arith.addi %mul3A_104, %add3A_105 : i32
      %get3A_107 = arith.index_cast %add3A_106 : i32 to index
      %get3A_108 = tpu.vector_load %arg9[%get3A_107] {strides = array<i32>} : memref<10112xi32, #tpu.memory_space<vmem>>, vector<16xi32>,
      %get3A_109 = vector.shape_cast %get3A_108 : vector<16xi32> to vector<16xi32>
      %get3A_110 = arith.index_cast %add3A_106 : i32 to index
      %get3A_111 = tpu.vector_load %arg10[%get3A_110] {strides = array<i32>} : memref<10112xi32, #tpu.memory_space<vmem>>, vector<16xi32>,
      %get3A_112 = vector.shape_cast %get3A_111 : vector<16xi32> to vector<16xi32>
      %sub3A_113 = arith.constant 1 : i32
      %sub3A_114 = arith.subi %sub3A_113, %mul3A_81 : i32
      %mul3A_115 = vector.broadcast %sub3A_114 : i32 to vector<16xi32>
      %mul3A_116 = arith.muli %get3A_112, %mul3A_115 : vector<16xi32>
      %mul3A_117 = arith.muli %add3A_2, %mul3A_81 : i32
      %add3A_118 = vector.broadcast %mul3A_117 : i32 to vector<16xi32>
      %add3A_119 = arith.addi %mul3A_116, %add3A_118 : vector<16xi32>
      %eq3A_120 = arith.cmpi eq, %get3A_109, %get3A_112 : vector<16xi32>
      %broadcast_in_dim3A_121 = vector.broadcast %add3A_2 : i32 to vector<16xi32>
      %select_n3A_122 = arith.select %eq3A_120, %broadcast_in_dim3A_121, %add3A_119 : vector<16xi1>, vector<16xi32>
      %swap3A_123 = arith.index_cast %scan3A_72 : i32 to index
      %swap3A_124 = arith.constant 16 : index
      %swap3A_125 = tpu.vector_load %arg11[%swap3A_123, %swap3A_124] {strides = array<i32>} : memref<79x128xi32, #tpu.memory_space<vmem>>, vector<1x16xi32>,
      %swap3A_126 = vector.shape_cast %swap3A_125 : vector<1x16xi32> to vector<16xi32>
      %swap3A_127 = vector.shape_cast %select_n3A_122 : vector<16xi32> to vector<1x16xi32>
      tpu.vector_store %arg11[%swap3A_123, %swap3A_124], %swap3A_127 {strides = array<i32>} : memref<79x128xi32, #tpu.memory_space<vmem>>, vector<1x16xi32>,
      %mul3A_128 = arith.constant 128 : i32
      %mul3A_129 = arith.muli %scan3A_72, %mul3A_128 : i32
      %add3A_130 = arith.constant 32 : i32
      %add3A_131 = arith.addi %mul3A_129, %add3A_130 : i32
      %get3A_132 = arith.index_cast %add3A_131 : i32 to index
      %get3A_133 = tpu.vector_load %arg9[%get3A_132] {strides = array<i32>} : memref<10112xi32, #tpu.memory_space<vmem>>, vector<16xi32>,
      %get3A_134 = vector.shape_cast %get3A_133 : vector<16xi32> to vector<16xi32>
      %get3A_135 = arith.index_cast %add3A_131 : i32 to index
      %get3A_136 = tpu.vector_load %arg10[%get3A_135] {strides = array<i32>} : memref<10112xi32, #tpu.memory_space<vmem>>, vector<16xi32>,
      %get3A_137 = vector.shape_cast %get3A_136 : vector<16xi32> to vector<16xi32>
      %sub3A_138 = arith.constant 1 : i32
      %sub3A_139 = arith.subi %sub3A_138, %mul3A_81 : i32
      %mul3A_140 = vector.broadcast %sub3A_139 : i32 to vector<16xi32>
      %mul3A_141 = arith.muli %get3A_137, %mul3A_140 : vector<16xi32>
      %mul3A_142 = arith.muli %add3A_2, %mul3A_81 : i32
      %add3A_143 = vector.broadcast %mul3A_142 : i32 to vector<16xi32>
      %add3A_144 = arith.addi %mul3A_141, %add3A_143 : vector<16xi32>
      %eq3A_145 = arith.cmpi eq, %get3A_134, %get3A_137 : vector<16xi32>
      %broadcast_in_dim3A_146 = vector.broadcast %add3A_2 : i32 to vector<16xi32>
      %select_n3A_147 = arith.select %eq3A_145, %broadcast_in_dim3A_146, %add3A_144 : vector<16xi1>, vector<16xi32>
      %swap3A_148 = arith.index_cast %scan3A_72 : i32 to index
      %swap3A_149 = arith.constant 32 : index
      %swap3A_150 = tpu.vector_load %arg11[%swap3A_148, %swap3A_149] {strides = array<i32>} : memref<79x128xi32, #tpu.memory_space<vmem>>, vector<1x16xi32>,
      %swap3A_151 = vector.shape_cast %swap3A_150 : vector<1x16xi32> to vector<16xi32>
      %swap3A_152 = vector.shape_cast %select_n3A_147 : vector<16xi32> to vector<1x16xi32>
      tpu.vector_store %arg11[%swap3A_148, %swap3A_149], %swap3A_152 {strides = array<i32>} : memref<79x128xi32, #tpu.memory_space<vmem>>, vector<1x16xi32>,
      %mul3A_153 = arith.constant 128 : i32
      %mul3A_154 = arith.muli %scan3A_72, %mul3A_153 : i32
      %add3A_155 = arith.constant 48 : i32
      %add3A_156 = arith.addi %mul3A_154, %add3A_155 : i32
      %get3A_157 = arith.index_cast %add3A_156 : i32 to index
      %get3A_158 = tpu.vector_load %arg9[%get3A_157] {strides = array<i32>} : memref<10112xi32, #tpu.memory_space<vmem>>, vector<16xi32>,
      %get3A_159 = vector.shape_cast %get3A_158 : vector<16xi32> to vector<16xi32>
      %get3A_160 = arith.index_cast %add3A_156 : i32 to index
      %get3A_161 = tpu.vector_load %arg10[%get3A_160] {strides = array<i32>} : memref<10112xi32, #tpu.memory_space<vmem>>, vector<16xi32>,
      %get3A_162 = vector.shape_cast %get3A_161 : vector<16xi32> to vector<16xi32>
      %sub3A_163 = arith.constant 1 : i32
      %sub3A_164 = arith.subi %sub3A_163, %mul3A_81 : i32
      %mul3A_165 = vector.broadcast %sub3A_164 : i32 to vector<16xi32>
      %mul3A_166 = arith.muli %get3A_162, %mul3A_165 : vector<16xi32>
      %mul3A_167 = arith.muli %add3A_2, %mul3A_81 : i32
      %add3A_168 = vector.broadcast %mul3A_167 : i32 to vector<16xi32>
      %add3A_169 = arith.addi %mul3A_166, %add3A_168 : vector<16xi32>
      %eq3A_170 = arith.cmpi eq, %get3A_159, %get3A_162 : vector<16xi32>
      %broadcast_in_dim3A_171 = vector.broadcast %add3A_2 : i32 to vector<16xi32>
      %select_n3A_172 = arith.select %eq3A_170, %broadcast_in_dim3A_171, %add3A_169 : vector<16xi1>, vector<16xi32>
      %swap3A_173 = arith.index_cast %scan3A_72 : i32 to index
      %swap3A_174 = arith.constant 48 : index
      %swap3A_175 = tpu.vector_load %arg11[%swap3A_173, %swap3A_174] {strides = array<i32>} : memref<79x128xi32, #tpu.memory_space<vmem>>, vector<1x16xi32>,
      %swap3A_176 = vector.shape_cast %swap3A_175 : vector<1x16xi32> to vector<16xi32>
      %swap3A_177 = vector.shape_cast %select_n3A_172 : vector<16xi32> to vector<1x16xi32>
      tpu.vector_store %arg11[%swap3A_173, %swap3A_174], %swap3A_177 {strides = array<i32>} : memref<79x128xi32, #tpu.memory_space<vmem>>, vector<1x16xi32>,
      %mul3A_178 = arith.constant 128 : i32
      %mul3A_179 = arith.muli %scan3A_72, %mul3A_178 : i32
      %add3A_180 = arith.constant 64 : i32
      %add3A_181 = arith.addi %mul3A_179, %add3A_180 : i32
      %get3A_182 = arith.index_cast %add3A_181 : i32 to index
      %get3A_183 = tpu.vector_load %arg9[%get3A_182] {strides = array<i32>} : memref<10112xi32, #tpu.memory_space<vmem>>, vector<16xi32>,
      %get3A_184 = vector.shape_cast %get3A_183 : vector<16xi32> to vector<16xi32>
      %get3A_185 = arith.index_cast %add3A_181 : i32 to index
      %get3A_186 = tpu.vector_load %arg10[%get3A_185] {strides = array<i32>} : memref<10112xi32, #tpu.memory_space<vmem>>, vector<16xi32>,
      %get3A_187 = vector.shape_cast %get3A_186 : vector<16xi32> to vector<16xi32>
      %sub3A_188 = arith.constant 1 : i32
      %sub3A_189 = arith.subi %sub3A_188, %mul3A_81 : i32
      %mul3A_190 = vector.broadcast %sub3A_189 : i32 to vector<16xi32>
      %mul3A_191 = arith.muli %get3A_187, %mul3A_190 : vector<16xi32>
      %mul3A_192 = arith.muli %add3A_2, %mul3A_81 : i32
      %add3A_193 = vector.broadcast %mul3A_192 : i32 to vector<16xi32>
      %add3A_194 = arith.addi %mul3A_191, %add3A_193 : vector<16xi32>
      %eq3A_195 = arith.cmpi eq, %get3A_184, %get3A_187 : vector<16xi32>
      %broadcast_in_dim3A_196 = vector.broadcast %add3A_2 : i32 to vector<16xi32>
      %select_n3A_197 = arith.select %eq3A_195, %broadcast_in_dim3A_196, %add3A_194 : vector<16xi1>, vector<16xi32>
      %swap3A_198 = arith.index_cast %scan3A_72 : i32 to index
      %swap3A_199 = arith.constant 64 : index
      %swap3A_200 = tpu.vector_load %arg11[%swap3A_198, %swap3A_199] {strides = array<i32>} : memref<79x128xi32, #tpu.memory_space<vmem>>, vector<1x16xi32>,
      %swap3A_201 = vector.shape_cast %swap3A_200 : vector<1x16xi32> to vector<16xi32>
      %swap3A_202 = vector.shape_cast %select_n3A_197 : vector<16xi32> to vector<1x16xi32>
      tpu.vector_store %arg11[%swap3A_198, %swap3A_199], %swap3A_202 {strides = array<i32>} : memref<79x128xi32, #tpu.memory_space<vmem>>, vector<1x16xi32>,
      %mul3A_203 = arith.constant 128 : i32
      %mul3A_204 = arith.muli %scan3A_72, %mul3A_203 : i32
      %add3A_205 = arith.constant 80 : i32
      %add3A_206 = arith.addi %mul3A_204, %add3A_205 : i32
      %get3A_207 = arith.index_cast %add3A_206 : i32 to index
      %get3A_208 = tpu.vector_load %arg9[%get3A_207] {strides = array<i32>} : memref<10112xi32, #tpu.memory_space<vmem>>, vector<16xi32>,
      %get3A_209 = vector.shape_cast %get3A_208 : vector<16xi32> to vector<16xi32>
      %get3A_210 = arith.index_cast %add3A_206 : i32 to index
      %get3A_211 = tpu.vector_load %arg10[%get3A_210] {strides = array<i32>} : memref<10112xi32, #tpu.memory_space<vmem>>, vector<16xi32>,
      %get3A_212 = vector.shape_cast %get3A_211 : vector<16xi32> to vector<16xi32>
      %sub3A_213 = arith.constant 1 : i32
      %sub3A_214 = arith.subi %sub3A_213, %mul3A_81 : i32
      %mul3A_215 = vector.broadcast %sub3A_214 : i32 to vector<16xi32>
      %mul3A_216 = arith.muli %get3A_212, %mul3A_215 : vector<16xi32>
      %mul3A_217 = arith.muli %add3A_2, %mul3A_81 : i32
      %add3A_218 = vector.broadcast %mul3A_217 : i32 to vector<16xi32>
      %add3A_219 = arith.addi %mul3A_216, %add3A_218 : vector<16xi32>
      %eq3A_220 = arith.cmpi eq, %get3A_209, %get3A_212 : vector<16xi32>
      %broadcast_in_dim3A_221 = vector.broadcast %add3A_2 : i32 to vector<16xi32>
      %select_n3A_222 = arith.select %eq3A_220, %broadcast_in_dim3A_221, %add3A_219 : vector<16xi1>, vector<16xi32>
      %swap3A_223 = arith.index_cast %scan3A_72 : i32 to index
      %swap3A_224 = arith.constant 80 : index
      %swap3A_225 = tpu.vector_load %arg11[%swap3A_223, %swap3A_224] {strides = array<i32>} : memref<79x128xi32, #tpu.memory_space<vmem>>, vector<1x16xi32>,
      %swap3A_226 = vector.shape_cast %swap3A_225 : vector<1x16xi32> to vector<16xi32>
      %swap3A_227 = vector.shape_cast %select_n3A_222 : vector<16xi32> to vector<1x16xi32>
      tpu.vector_store %arg11[%swap3A_223, %swap3A_224], %swap3A_227 {strides = array<i32>} : memref<79x128xi32, #tpu.memory_space<vmem>>, vector<1x16xi32>,
      %mul3A_228 = arith.constant 128 : i32
      %mul3A_229 = arith.muli %scan3A_72, %mul3A_228 : i32
      %add3A_230 = arith.constant 96 : i32
      %add3A_231 = arith.addi %mul3A_229, %add3A_230 : i32
      %get3A_232 = arith.index_cast %add3A_231 : i32 to index
      %get3A_233 = tpu.vector_load %arg9[%get3A_232] {strides = array<i32>} : memref<10112xi32, #tpu.memory_space<vmem>>, vector<16xi32>,
      %get3A_234 = vector.shape_cast %get3A_233 : vector<16xi32> to vector<16xi32>
      %get3A_235 = arith.index_cast %add3A_231 : i32 to index
      %get3A_236 = tpu.vector_load %arg10[%get3A_235] {strides = array<i32>} : memref<10112xi32, #tpu.memory_space<vmem>>, vector<16xi32>,
      %get3A_237 = vector.shape_cast %get3A_236 : vector<16xi32> to vector<16xi32>
      %sub3A_238 = arith.constant 1 : i32
      %sub3A_239 = arith.subi %sub3A_238, %mul3A_81 : i32
      %mul3A_240 = vector.broadcast %sub3A_239 : i32 to vector<16xi32>
      %mul3A_241 = arith.muli %get3A_237, %mul3A_240 : vector<16xi32>
      %mul3A_242 = arith.muli %add3A_2, %mul3A_81 : i32
      %add3A_243 = vector.broadcast %mul3A_242 : i32 to vector<16xi32>
      %add3A_244 = arith.addi %mul3A_241, %add3A_243 : vector<16xi32>
      %eq3A_245 = arith.cmpi eq, %get3A_234, %get3A_237 : vector<16xi32>
      %broadcast_in_dim3A_246 = vector.broadcast %add3A_2 : i32 to vector<16xi32>
      %select_n3A_247 = arith.select %eq3A_245, %broadcast_in_dim3A_246, %add3A_244 : vector<16xi1>, vector<16xi32>
      %swap3A_248 = arith.index_cast %scan3A_72 : i32 to index
      %swap3A_249 = arith.constant 96 : index
      %swap3A_250 = tpu.vector_load %arg11[%swap3A_248, %swap3A_249] {strides = array<i32>} : memref<79x128xi32, #tpu.memory_space<vmem>>, vector<1x16xi32>,
      %swap3A_251 = vector.shape_cast %swap3A_250 : vector<1x16xi32> to vector<16xi32>
      %swap3A_252 = vector.shape_cast %select_n3A_247 : vector<16xi32> to vector<1x16xi32>
      tpu.vector_store %arg11[%swap3A_248, %swap3A_249], %swap3A_252 {strides = array<i32>} : memref<79x128xi32, #tpu.memory_space<vmem>>, vector<1x16xi32>,
      %mul3A_253 = arith.constant 128 : i32
      %mul3A_254 = arith.muli %scan3A_72, %mul3A_253 : i32
      %add3A_255 = arith.constant 112 : i32
      %add3A_256 = arith.addi %mul3A_254, %add3A_255 : i32
      %get3A_257 = arith.index_cast %add3A_256 : i32 to index
      %get3A_258 = tpu.vector_load %arg9[%get3A_257] {strides = array<i32>} : memref<10112xi32, #tpu.memory_space<vmem>>, vector<16xi32>,
      %get3A_259 = vector.shape_cast %get3A_258 : vector<16xi32> to vector<16xi32>
      %get3A_260 = arith.index_cast %add3A_256 : i32 to index
      %get3A_261 = tpu.vector_load %arg10[%get3A_260] {strides = array<i32>} : memref<10112xi32, #tpu.memory_space<vmem>>, vector<16xi32>,
      %get3A_262 = vector.shape_cast %get3A_261 : vector<16xi32> to vector<16xi32>
      %sub3A_263 = arith.constant 1 : i32
      %sub3A_264 = arith.subi %sub3A_263, %mul3A_81 : i32
      %mul3A_265 = vector.broadcast %sub3A_264 : i32 to vector<16xi32>
      %mul3A_266 = arith.muli %get3A_262, %mul3A_265 : vector<16xi32>
      %mul3A_267 = arith.muli %add3A_2, %mul3A_81 : i32
      %add3A_268 = vector.broadcast %mul3A_267 : i32 to vector<16xi32>
      %add3A_269 = arith.addi %mul3A_266, %add3A_268 : vector<16xi32>
      %eq3A_270 = arith.cmpi eq, %get3A_259, %get3A_262 : vector<16xi32>
      %broadcast_in_dim3A_271 = vector.broadcast %add3A_2 : i32 to vector<16xi32>
      %select_n3A_272 = arith.select %eq3A_270, %broadcast_in_dim3A_271, %add3A_269 : vector<16xi1>, vector<16xi32>
      %swap3A_273 = arith.index_cast %scan3A_72 : i32 to index
      %swap3A_274 = arith.constant 112 : index
      %swap3A_275 = tpu.vector_load %arg11[%swap3A_273, %swap3A_274] {strides = array<i32>} : memref<79x128xi32, #tpu.memory_space<vmem>>, vector<1x16xi32>,
      %swap3A_276 = vector.shape_cast %swap3A_275 : vector<1x16xi32> to vector<16xi32>
      %swap3A_277 = vector.shape_cast %select_n3A_272 : vector<16xi32> to vector<1x16xi32>
      tpu.vector_store %arg11[%swap3A_273, %swap3A_274], %swap3A_277 {strides = array<i32>} : memref<79x128xi32, #tpu.memory_space<vmem>>, vector<1x16xi32>,
      %scan3A_278 = arith.constant 0 : i32
      scf.yield %scan3A_278 : i32
    }
    %scan3A_14 = arith.constant 79 : i32
    %barrier3A = arith.constant 0 : index
    tpu.barrier barrier_id(%barrier3A)
    %dma_start3A = arith.constant 0 : i32
    %dma_start3A_15 = tpu.memref_slice %arg9[%dma_start3A] : memref<10112xi32, #tpu.memory_space<vmem>> -> memref<128xi32, #tpu.memory_space<vmem>>
    %dma_start3A_16 = arith.constant 0 : i32
    %dma_start3A_17 = arith.constant 0 : i32
    %dma_start3A_18 = tpu.memref_slice %arg2[%dma_start3A_16, %dma_start3A_17] : memref<10240x16xf32, #tpu.memory_space<hbm>> -> memref<10240x16xf32, #tpu.memory_space<hbm>>
    tpu.enqueue_indirect_dma source(%dma_start3A_18 : memref<10240x16xf32, #tpu.memory_space<hbm>>) target(%arg16 : memref<128x16xf32, #tpu.memory_space<vmem>>) offsets(%dma_start3A_15 : memref<128xi32, #tpu.memory_space<vmem>>) semaphore(%arg24 : memref<!tpu.dma_semaphore, #tpu.memory_space<semaphore_mem>>)
    %dma_start3A_19 = arith.constant 128 : i32
    %dma_start3A_20 = tpu.memref_slice %arg9[%dma_start3A_19] : memref<10112xi32, #tpu.memory_space<vmem>> -> memref<128xi32, #tpu.memory_space<vmem>>
    %dma_start3A_21 = arith.constant 0 : i32
    %dma_start3A_22 = arith.constant 0 : i32
    %dma_start3A_23 = tpu.memref_slice %arg2[%dma_start3A_21, %dma_start3A_22] : memref<10240x16xf32, #tpu.memory_space<hbm>> -> memref<10240x16xf32, #tpu.memory_space<hbm>>
    tpu.enqueue_indirect_dma source(%dma_start3A_23 : memref<10240x16xf32, #tpu.memory_space<hbm>>) target(%arg17 : memref<128x16xf32, #tpu.memory_space<vmem>>) offsets(%dma_start3A_20 : memref<128xi32, #tpu.memory_space<vmem>>) semaphore(%arg25 : memref<!tpu.dma_semaphore, #tpu.memory_space<semaphore_mem>>)
    %dma_start3A_24 = arith.constant 256 : i32
    %dma_start3A_25 = tpu.memref_slice %arg9[%dma_start3A_24] : memref<10112xi32, #tpu.memory_space<vmem>> -> memref<128xi32, #tpu.memory_space<vmem>>
    %dma_start3A_26 = arith.constant 0 : i32
    %dma_start3A_27 = arith.constant 0 : i32
    %dma_start3A_28 = tpu.memref_slice %arg2[%dma_start3A_26, %dma_start3A_27] : memref<10240x16xf32, #tpu.memory_space<hbm>> -> memref<10240x16xf32, #tpu.memory_space<hbm>>
    tpu.enqueue_indirect_dma source(%dma_start3A_28 : memref<10240x16xf32, #tpu.memory_space<hbm>>) target(%arg18 : memref<128x16xf32, #tpu.memory_space<vmem>>) offsets(%dma_start3A_25 : memref<128xi32, #tpu.memory_space<vmem>>) semaphore(%arg26 : memref<!tpu.dma_semaphore, #tpu.memory_space<semaphore_mem>>)
    %dma_start3A_29 = arith.constant 384 : i32
    %dma_start3A_30 = tpu.memref_slice %arg9[%dma_start3A_29] : memref<10112xi32, #tpu.memory_space<vmem>> -> memref<128xi32, #tpu.memory_space<vmem>>
    %dma_start3A_31 = arith.constant 0 : i32
    %dma_start3A_32 = arith.constant 0 : i32
    %dma_start3A_33 = tpu.memref_slice %arg2[%dma_start3A_31, %dma_start3A_32] : memref<10240x16xf32, #tpu.memory_space<hbm>> -> memref<10240x16xf32, #tpu.memory_space<hbm>>
    tpu.enqueue_indirect_dma source(%dma_start3A_33 : memref<10240x16xf32, #tpu.memory_space<hbm>>) target(%arg19 : memref<128x16xf32, #tpu.memory_space<vmem>>) offsets(%dma_start3A_30 : memref<128xi32, #tpu.memory_space<vmem>>) semaphore(%arg27 : memref<!tpu.dma_semaphore, #tpu.memory_space<semaphore_mem>>)
    %dma_start3A_34 = arith.constant 512 : i32
    %dma_start3A_35 = tpu.memref_slice %arg9[%dma_start3A_34] : memref<10112xi32, #tpu.memory_space<vmem>> -> memref<128xi32, #tpu.memory_space<vmem>>
    %dma_start3A_36 = arith.constant 0 : i32
    %dma_start3A_37 = arith.constant 0 : i32
    %dma_start3A_38 = tpu.memref_slice %arg2[%dma_start3A_36, %dma_start3A_37] : memref<10240x16xf32, #tpu.memory_space<hbm>> -> memref<10240x16xf32, #tpu.memory_space<hbm>>
    tpu.enqueue_indirect_dma source(%dma_start3A_38 : memref<10240x16xf32, #tpu.memory_space<hbm>>) target(%arg20 : memref<128x16xf32, #tpu.memory_space<vmem>>) offsets(%dma_start3A_35 : memref<128xi32, #tpu.memory_space<vmem>>) semaphore(%arg28 : memref<!tpu.dma_semaphore, #tpu.memory_space<semaphore_mem>>)
    %dma_start3A_39 = arith.constant 640 : i32
    %dma_start3A_40 = tpu.memref_slice %arg9[%dma_start3A_39] : memref<10112xi32, #tpu.memory_space<vmem>> -> memref<128xi32, #tpu.memory_space<vmem>>
    %dma_start3A_41 = arith.constant 0 : i32
    %dma_start3A_42 = arith.constant 0 : i32
    %dma_start3A_43 = tpu.memref_slice %arg2[%dma_start3A_41, %dma_start3A_42] : memref<10240x16xf32, #tpu.memory_space<hbm>> -> memref<10240x16xf32, #tpu.memory_space<hbm>>
    tpu.enqueue_indirect_dma source(%dma_start3A_43 : memref<10240x16xf32, #tpu.memory_space<hbm>>) target(%arg21 : memref<128x16xf32, #tpu.memory_space<vmem>>) offsets(%dma_start3A_40 : memref<128xi32, #tpu.memory_space<vmem>>) semaphore(%arg29 : memref<!tpu.dma_semaphore, #tpu.memory_space<semaphore_mem>>)
    %dma_start3A_44 = arith.constant 768 : i32
    %dma_start3A_45 = tpu.memref_slice %arg9[%dma_start3A_44] : memref<10112xi32, #tpu.memory_space<vmem>> -> memref<128xi32, #tpu.memory_space<vmem>>
    %dma_start3A_46 = arith.constant 0 : i32
    %dma_start3A_47 = arith.constant 0 : i32
    %dma_start3A_48 = tpu.memref_slice %arg2[%dma_start3A_46, %dma_start3A_47] : memref<10240x16xf32, #tpu.memory_space<hbm>> -> memref<10240x16xf32, #tpu.memory_space<hbm>>
    tpu.enqueue_indirect_dma source(%dma_start3A_48 : memref<10240x16xf32, #tpu.memory_space<hbm>>) target(%arg22 : memref<128x16xf32, #tpu.memory_space<vmem>>) offsets(%dma_start3A_45 : memref<128xi32, #tpu.memory_space<vmem>>) semaphore(%arg30 : memref<!tpu.dma_semaphore, #tpu.memory_space<semaphore_mem>>)
    %dma_start3A_49 = arith.constant 896 : i32
    %dma_start3A_50 = tpu.memref_slice %arg9[%dma_start3A_49] : memref<10112xi32, #tpu.memory_space<vmem>> -> memref<128xi32, #tpu.memory_space<vmem>>
    %dma_start3A_51 = arith.constant 0 : i32
    %dma_start3A_52 = arith.constant 0 : i32
    %dma_start3A_53 = tpu.memref_slice %arg2[%dma_start3A_51, %dma_start3A_52] : memref<10240x16xf32, #tpu.memory_space<hbm>> -> memref<10240x16xf32, #tpu.memory_space<hbm>>
    tpu.enqueue_indirect_dma source(%dma_start3A_53 : memref<10240x16xf32, #tpu.memory_space<hbm>>) target(%arg23 : memref<128x16xf32, #tpu.memory_space<vmem>>) offsets(%dma_start3A_50 : memref<128xi32, #tpu.memory_space<vmem>>) semaphore(%arg31 : memref<!tpu.dma_semaphore, #tpu.memory_space<semaphore_mem>>)
    %scan3A_54 = arith.constant 0 : i32
    %scan3A_55 = arith.constant 0 : i32
    %scan3A_56 = arith.constant 10 : i32
    %scan3A_57 = arith.addi %scan3A_55, %scan3A_56 : i32
    %scan3A_58 = arith.constant 1 : i32
    %scan3A_59 = scf.for %scan3A_72 = %scan3A_55 to %scan3A_57 step %scan3A_58 iter_args(%scan3A_73 = %scan3A_54) -> (i32)  : i32 {
      %mul3A_74 = arith.constant 8 : i32
      %mul3A_75 = arith.muli %scan3A_72, %mul3A_74 : i32
      %add3A_76 = arith.constant 0 : i32
      %add3A_77 = arith.addi %mul3A_75, %add3A_76 : i32
      %lt3A = arith.constant 79 : i32
      %lt3A_78 = arith.cmpi slt, %add3A_77, %lt3A : i32
      %convert_element_type3A_79 = arith.extui %lt3A_78 : i1 to i32
      %cond3A_80 = arith.constant 0 : i32
      %cond3A_81 = arith.cmpi ne, %convert_element_type3A_79, %cond3A_80 : i32
      scf.if %cond3A_81 {
        %mul3A_132 = arith.constant 128 : i32
        %mul3A_133 = arith.muli %add3A_77, %mul3A_132 : i32
        %dma_wait3A = tpu.memref_slice %arg9[%mul3A_133] : memref<10112xi32, #tpu.memory_space<vmem>> -> memref<128xi32, #tpu.memory_space<vmem>>
        %dma_wait3A_134 = arith.constant 0 : i32
        %dma_wait3A_135 = arith.constant 0 : i32
        %dma_wait3A_136 = tpu.memref_slice %arg2[%dma_wait3A_134, %dma_wait3A_135] : memref<10240x16xf32, #tpu.memory_space<hbm>> -> memref<10240x16xf32, #tpu.memory_space<hbm>>
        tpu.wait_indirect_dma semaphore(%arg24 : memref<!tpu.dma_semaphore, #tpu.memory_space<semaphore_mem>>) src(%dma_wait3A_136 : memref<10240x16xf32, #tpu.memory_space<hbm>>) dst(%arg16 : memref<128x16xf32, #tpu.memory_space<vmem>>)
        "tpu.region"() ({
          %run_scoped3A_150 = tpu.sem_alloc : memref<!tpu.dma_semaphore, #tpu.memory_space<semaphore_mem>>
          %dma_start3A_151 = arith.constant 0 : i32
          %dma_start3A_152 = tpu.memref_slice %arg11[%add3A_77, %dma_start3A_151] : memref<79x128xi32, #tpu.memory_space<vmem>> -> memref<1x128xi32, #tpu.memory_space<vmem>>
          %dma_start3A_153 = tpu.memref_squeeze %dma_start3A_152 : memref<1x128xi32, #tpu.memory_space<vmem>> -> memref<128xi32, #tpu.memory_space<vmem>>
          %dma_start3A_154 = arith.constant 0 : i32
          %dma_start3A_155 = arith.constant 0 : i32
          %dma_start3A_156 = tpu.memref_slice %arg33[%dma_start3A_154, %dma_start3A_155] : memref<10240x16xf32, #tpu.memory_space<vmem_shared>> -> memref<10240x16xf32, #tpu.memory_space<vmem_shared>>
          tpu.enqueue_indirect_dma source(%arg16 : memref<128x16xf32, #tpu.memory_space<vmem>>) target(%dma_start3A_156 : memref<10240x16xf32, #tpu.memory_space<vmem_shared>>) offsets(%dma_start3A_153 : memref<128xi32, #tpu.memory_space<vmem>>) semaphore(%run_scoped3A_150 : memref<!tpu.dma_semaphore, #tpu.memory_space<semaphore_mem>>) {add = true}
          %dma_wait3A_157 = arith.constant 0 : i32
          %dma_wait3A_158 = tpu.memref_slice %arg11[%add3A_77, %dma_wait3A_157] : memref<79x128xi32, #tpu.memory_space<vmem>> -> memref<1x128xi32, #tpu.memory_space<vmem>>
          %dma_wait3A_159 = tpu.memref_squeeze %dma_wait3A_158 : memref<1x128xi32, #tpu.memory_space<vmem>> -> memref<128xi32, #tpu.memory_space<vmem>>
          %dma_wait3A_160 = arith.constant 0 : i32
          %dma_wait3A_161 = arith.constant 0 : i32
          %dma_wait3A_162 = tpu.memref_slice %arg33[%dma_wait3A_160, %dma_wait3A_161] : memref<10240x16xf32, #tpu.memory_space<vmem_shared>> -> memref<10240x16xf32, #tpu.memory_space<vmem_shared>>
          tpu.wait_indirect_dma semaphore(%run_scoped3A_150 : memref<!tpu.dma_semaphore, #tpu.memory_space<semaphore_mem>>) src(%arg16 : memref<128x16xf32, #tpu.memory_space<vmem>>) dst(%dma_wait3A_162 : memref<10240x16xf32, #tpu.memory_space<vmem_shared>>)
          tpu.yield
        }) : () -> ()
        %dma_start3A_137 = arith.constant 0 : i32
        %dma_start3A_138 = tpu.memref_slice %arg11[%add3A_77, %dma_start3A_137] : memref<79x128xi32, #tpu.memory_space<vmem>> -> memref<1x128xi32, #tpu.memory_space<vmem>>
        %dma_start3A_139 = tpu.memref_squeeze %dma_start3A_138 : memref<1x128xi32, #tpu.memory_space<vmem>> -> memref<128xi32, #tpu.memory_space<vmem>>
        %dma_start3A_140 = arith.constant 0 : i32
        %dma_start3A_141 = arith.constant 0 : i32
        %dma_start3A_142 = tpu.memref_slice %arg34[%dma_start3A_140, %dma_start3A_141] : memref<10240x8xf32, #tpu.memory_space<vmem_shared>> -> memref<10240x8xf32, #tpu.memory_space<vmem_shared>>
        tpu.enqueue_indirect_dma source(%arg12 : memref<128x8xf32, #tpu.memory_space<vmem>>) target(%dma_start3A_142 : memref<10240x8xf32, #tpu.memory_space<vmem_shared>>) offsets(%dma_start3A_139 : memref<128xi32, #tpu.memory_space<vmem>>) semaphore(%arg32 : memref<!tpu.dma_semaphore, #tpu.memory_space<semaphore_mem>>) {add = true}
        %add3A_143 = arith.constant 8 : i32
        %add3A_144 = arith.addi %add3A_77, %add3A_143 : i32
        %lt3A_145 = arith.constant 79 : i32
        %lt3A_146 = arith.cmpi slt, %add3A_144, %lt3A_145 : i32
        %convert_element_type3A_147 = arith.extui %lt3A_146 : i1 to i32
        %cond3A_148 = arith.constant 0 : i32
        %cond3A_149 = arith.cmpi ne, %convert_element_type3A_147, %cond3A_148 : i32
        scf.if %cond3A_149 {
          %mul3A_150 = arith.constant 128 : i32
          %mul3A_151 = arith.muli %add3A_144, %mul3A_150 : i32
          %dma_start3A_152 = tpu.memref_slice %arg9[%mul3A_151] : memref<10112xi32, #tpu.memory_space<vmem>> -> memref<128xi32, #tpu.memory_space<vmem>>
          %dma_start3A_153 = arith.constant 0 : i32
          %dma_start3A_154 = arith.constant 0 : i32
          %dma_start3A_155 = tpu.memref_slice %arg2[%dma_start3A_153, %dma_start3A_154] : memref<10240x16xf32, #tpu.memory_space<hbm>> -> memref<10240x16xf32, #tpu.memory_space<hbm>>
          tpu.enqueue_indirect_dma source(%dma_start3A_155 : memref<10240x16xf32, #tpu.memory_space<hbm>>) target(%arg16 : memref<128x16xf32, #tpu.memory_space<vmem>>) offsets(%dma_start3A_152 : memref<128xi32, #tpu.memory_space<vmem>>) semaphore(%arg24 : memref<!tpu.dma_semaphore, #tpu.memory_space<semaphore_mem>>)
        } else {
        }
      } else {
      }
      %add3A_82 = arith.constant 1 : i32
      %add3A_83 = arith.addi %mul3A_75, %add3A_82 : i32
      %lt3A_84 = arith.constant 79 : i32
      %lt3A_85 = arith.cmpi slt, %add3A_83, %lt3A_84 : i32
      %convert_element_type3A_86 = arith.extui %lt3A_85 : i1 to i32
      %cond3A_87 = arith.constant 0 : i32
      %cond3A_88 = arith.cmpi ne, %convert_element_type3A_86, %cond3A_87 : i32
      scf.if %cond3A_88 {
        %mul3A_132 = arith.constant 128 : i32
        %mul3A_133 = arith.muli %add3A_83, %mul3A_132 : i32
        %dma_wait3A = tpu.memref_slice %arg9[%mul3A_133] : memref<10112xi32, #tpu.memory_space<vmem>> -> memref<128xi32, #tpu.memory_space<vmem>>
        %dma_wait3A_134 = arith.constant 0 : i32
        %dma_wait3A_135 = arith.constant 0 : i32
        %dma_wait3A_136 = tpu.memref_slice %arg2[%dma_wait3A_134, %dma_wait3A_135] : memref<10240x16xf32, #tpu.memory_space<hbm>> -> memref<10240x16xf32, #tpu.memory_space<hbm>>
        tpu.wait_indirect_dma semaphore(%arg25 : memref<!tpu.dma_semaphore, #tpu.memory_space<semaphore_mem>>) src(%dma_wait3A_136 : memref<10240x16xf32, #tpu.memory_space<hbm>>) dst(%arg17 : memref<128x16xf32, #tpu.memory_space<vmem>>)
        "tpu.region"() ({
          %run_scoped3A_150 = tpu.sem_alloc : memref<!tpu.dma_semaphore, #tpu.memory_space<semaphore_mem>>
          %dma_start3A_151 = arith.constant 0 : i32
          %dma_start3A_152 = tpu.memref_slice %arg11[%add3A_83, %dma_start3A_151] : memref<79x128xi32, #tpu.memory_space<vmem>> -> memref<1x128xi32, #tpu.memory_space<vmem>>
          %dma_start3A_153 = tpu.memref_squeeze %dma_start3A_152 : memref<1x128xi32, #tpu.memory_space<vmem>> -> memref<128xi32, #tpu.memory_space<vmem>>
          %dma_start3A_154 = arith.constant 0 : i32
          %dma_start3A_155 = arith.constant 0 : i32
          %dma_start3A_156 = tpu.memref_slice %arg33[%dma_start3A_154, %dma_start3A_155] : memref<10240x16xf32, #tpu.memory_space<vmem_shared>> -> memref<10240x16xf32, #tpu.memory_space<vmem_shared>>
          tpu.enqueue_indirect_dma source(%arg17 : memref<128x16xf32, #tpu.memory_space<vmem>>) target(%dma_start3A_156 : memref<10240x16xf32, #tpu.memory_space<vmem_shared>>) offsets(%dma_start3A_153 : memref<128xi32, #tpu.memory_space<vmem>>) semaphore(%run_scoped3A_150 : memref<!tpu.dma_semaphore, #tpu.memory_space<semaphore_mem>>) {add = true}
          %dma_wait3A_157 = arith.constant 0 : i32
          %dma_wait3A_158 = tpu.memref_slice %arg11[%add3A_83, %dma_wait3A_157] : memref<79x128xi32, #tpu.memory_space<vmem>> -> memref<1x128xi32, #tpu.memory_space<vmem>>
          %dma_wait3A_159 = tpu.memref_squeeze %dma_wait3A_158 : memref<1x128xi32, #tpu.memory_space<vmem>> -> memref<128xi32, #tpu.memory_space<vmem>>
          %dma_wait3A_160 = arith.constant 0 : i32
          %dma_wait3A_161 = arith.constant 0 : i32
          %dma_wait3A_162 = tpu.memref_slice %arg33[%dma_wait3A_160, %dma_wait3A_161] : memref<10240x16xf32, #tpu.memory_space<vmem_shared>> -> memref<10240x16xf32, #tpu.memory_space<vmem_shared>>
          tpu.wait_indirect_dma semaphore(%run_scoped3A_150 : memref<!tpu.dma_semaphore, #tpu.memory_space<semaphore_mem>>) src(%arg17 : memref<128x16xf32, #tpu.memory_space<vmem>>) dst(%dma_wait3A_162 : memref<10240x16xf32, #tpu.memory_space<vmem_shared>>)
          tpu.yield
        }) : () -> ()
        %dma_start3A_137 = arith.constant 0 : i32
        %dma_start3A_138 = tpu.memref_slice %arg11[%add3A_83, %dma_start3A_137] : memref<79x128xi32, #tpu.memory_space<vmem>> -> memref<1x128xi32, #tpu.memory_space<vmem>>
        %dma_start3A_139 = tpu.memref_squeeze %dma_start3A_138 : memref<1x128xi32, #tpu.memory_space<vmem>> -> memref<128xi32, #tpu.memory_space<vmem>>
        %dma_start3A_140 = arith.constant 0 : i32
        %dma_start3A_141 = arith.constant 0 : i32
        %dma_start3A_142 = tpu.memref_slice %arg34[%dma_start3A_140, %dma_start3A_141] : memref<10240x8xf32, #tpu.memory_space<vmem_shared>> -> memref<10240x8xf32, #tpu.memory_space<vmem_shared>>
        tpu.enqueue_indirect_dma source(%arg12 : memref<128x8xf32, #tpu.memory_space<vmem>>) target(%dma_start3A_142 : memref<10240x8xf32, #tpu.memory_space<vmem_shared>>) offsets(%dma_start3A_139 : memref<128xi32, #tpu.memory_space<vmem>>) semaphore(%arg32 : memref<!tpu.dma_semaphore, #tpu.memory_space<semaphore_mem>>) {add = true}
        %add3A_143 = arith.constant 8 : i32
        %add3A_144 = arith.addi %add3A_83, %add3A_143 : i32
        %lt3A_145 = arith.constant 79 : i32
        %lt3A_146 = arith.cmpi slt, %add3A_144, %lt3A_145 : i32
        %convert_element_type3A_147 = arith.extui %lt3A_146 : i1 to i32
        %cond3A_148 = arith.constant 0 : i32
        %cond3A_149 = arith.cmpi ne, %convert_element_type3A_147, %cond3A_148 : i32
        scf.if %cond3A_149 {
          %mul3A_150 = arith.constant 128 : i32
          %mul3A_151 = arith.muli %add3A_144, %mul3A_150 : i32
          %dma_start3A_152 = tpu.memref_slice %arg9[%mul3A_151] : memref<10112xi32, #tpu.memory_space<vmem>> -> memref<128xi32, #tpu.memory_space<vmem>>
          %dma_start3A_153 = arith.constant 0 : i32
          %dma_start3A_154 = arith.constant 0 : i32
          %dma_start3A_155 = tpu.memref_slice %arg2[%dma_start3A_153, %dma_start3A_154] : memref<10240x16xf32, #tpu.memory_space<hbm>> -> memref<10240x16xf32, #tpu.memory_space<hbm>>
          tpu.enqueue_indirect_dma source(%dma_start3A_155 : memref<10240x16xf32, #tpu.memory_space<hbm>>) target(%arg17 : memref<128x16xf32, #tpu.memory_space<vmem>>) offsets(%dma_start3A_152 : memref<128xi32, #tpu.memory_space<vmem>>) semaphore(%arg25 : memref<!tpu.dma_semaphore, #tpu.memory_space<semaphore_mem>>)
        } else {
        }
      } else {
      }
      %add3A_89 = arith.constant 2 : i32
      %add3A_90 = arith.addi %mul3A_75, %add3A_89 : i32
      %lt3A_91 = arith.constant 79 : i32
      %lt3A_92 = arith.cmpi slt, %add3A_90, %lt3A_91 : i32
      %convert_element_type3A_93 = arith.extui %lt3A_92 : i1 to i32
      %cond3A_94 = arith.constant 0 : i32
      %cond3A_95 = arith.cmpi ne, %convert_element_type3A_93, %cond3A_94 : i32
      scf.if %cond3A_95 {
        %mul3A_132 = arith.constant 128 : i32
        %mul3A_133 = arith.muli %add3A_90, %mul3A_132 : i32
        %dma_wait3A = tpu.memref_slice %arg9[%mul3A_133] : memref<10112xi32, #tpu.memory_space<vmem>> -> memref<128xi32, #tpu.memory_space<vmem>>
        %dma_wait3A_134 = arith.constant 0 : i32
        %dma_wait3A_135 = arith.constant 0 : i32
        %dma_wait3A_136 = tpu.memref_slice %arg2[%dma_wait3A_134, %dma_wait3A_135] : memref<10240x16xf32, #tpu.memory_space<hbm>> -> memref<10240x16xf32, #tpu.memory_space<hbm>>
        tpu.wait_indirect_dma semaphore(%arg26 : memref<!tpu.dma_semaphore, #tpu.memory_space<semaphore_mem>>) src(%dma_wait3A_136 : memref<10240x16xf32, #tpu.memory_space<hbm>>) dst(%arg18 : memref<128x16xf32, #tpu.memory_space<vmem>>)
        "tpu.region"() ({
          %run_scoped3A_150 = tpu.sem_alloc : memref<!tpu.dma_semaphore, #tpu.memory_space<semaphore_mem>>
          %dma_start3A_151 = arith.constant 0 : i32
          %dma_start3A_152 = tpu.memref_slice %arg11[%add3A_90, %dma_start3A_151] : memref<79x128xi32, #tpu.memory_space<vmem>> -> memref<1x128xi32, #tpu.memory_space<vmem>>
          %dma_start3A_153 = tpu.memref_squeeze %dma_start3A_152 : memref<1x128xi32, #tpu.memory_space<vmem>> -> memref<128xi32, #tpu.memory_space<vmem>>
          %dma_start3A_154 = arith.constant 0 : i32
          %dma_start3A_155 = arith.constant 0 : i32
          %dma_start3A_156 = tpu.memref_slice %arg33[%dma_start3A_154, %dma_start3A_155] : memref<10240x16xf32, #tpu.memory_space<vmem_shared>> -> memref<10240x16xf32, #tpu.memory_space<vmem_shared>>
          tpu.enqueue_indirect_dma source(%arg18 : memref<128x16xf32, #tpu.memory_space<vmem>>) target(%dma_start3A_156 : memref<10240x16xf32, #tpu.memory_space<vmem_shared>>) offsets(%dma_start3A_153 : memref<128xi32, #tpu.memory_space<vmem>>) semaphore(%run_scoped3A_150 : memref<!tpu.dma_semaphore, #tpu.memory_space<semaphore_mem>>) {add = true}
          %dma_wait3A_157 = arith.constant 0 : i32
          %dma_wait3A_158 = tpu.memref_slice %arg11[%add3A_90, %dma_wait3A_157] : memref<79x128xi32, #tpu.memory_space<vmem>> -> memref<1x128xi32, #tpu.memory_space<vmem>>
          %dma_wait3A_159 = tpu.memref_squeeze %dma_wait3A_158 : memref<1x128xi32, #tpu.memory_space<vmem>> -> memref<128xi32, #tpu.memory_space<vmem>>
          %dma_wait3A_160 = arith.constant 0 : i32
          %dma_wait3A_161 = arith.constant 0 : i32
          %dma_wait3A_162 = tpu.memref_slice %arg33[%dma_wait3A_160, %dma_wait3A_161] : memref<10240x16xf32, #tpu.memory_space<vmem_shared>> -> memref<10240x16xf32, #tpu.memory_space<vmem_shared>>
          tpu.wait_indirect_dma semaphore(%run_scoped3A_150 : memref<!tpu.dma_semaphore, #tpu.memory_space<semaphore_mem>>) src(%arg18 : memref<128x16xf32, #tpu.memory_space<vmem>>) dst(%dma_wait3A_162 : memref<10240x16xf32, #tpu.memory_space<vmem_shared>>)
          tpu.yield
        }) : () -> ()
        %dma_start3A_137 = arith.constant 0 : i32
        %dma_start3A_138 = tpu.memref_slice %arg11[%add3A_90, %dma_start3A_137] : memref<79x128xi32, #tpu.memory_space<vmem>> -> memref<1x128xi32, #tpu.memory_space<vmem>>
        %dma_start3A_139 = tpu.memref_squeeze %dma_start3A_138 : memref<1x128xi32, #tpu.memory_space<vmem>> -> memref<128xi32, #tpu.memory_space<vmem>>
        %dma_start3A_140 = arith.constant 0 : i32
        %dma_start3A_141 = arith.constant 0 : i32
        %dma_start3A_142 = tpu.memref_slice %arg34[%dma_start3A_140, %dma_start3A_141] : memref<10240x8xf32, #tpu.memory_space<vmem_shared>> -> memref<10240x8xf32, #tpu.memory_space<vmem_shared>>
        tpu.enqueue_indirect_dma source(%arg12 : memref<128x8xf32, #tpu.memory_space<vmem>>) target(%dma_start3A_142 : memref<10240x8xf32, #tpu.memory_space<vmem_shared>>) offsets(%dma_start3A_139 : memref<128xi32, #tpu.memory_space<vmem>>) semaphore(%arg32 : memref<!tpu.dma_semaphore, #tpu.memory_space<semaphore_mem>>) {add = true}
        %add3A_143 = arith.constant 8 : i32
        %add3A_144 = arith.addi %add3A_90, %add3A_143 : i32
        %lt3A_145 = arith.constant 79 : i32
        %lt3A_146 = arith.cmpi slt, %add3A_144, %lt3A_145 : i32
        %convert_element_type3A_147 = arith.extui %lt3A_146 : i1 to i32
        %cond3A_148 = arith.constant 0 : i32
        %cond3A_149 = arith.cmpi ne, %convert_element_type3A_147, %cond3A_148 : i32
        scf.if %cond3A_149 {
          %mul3A_150 = arith.constant 128 : i32
          %mul3A_151 = arith.muli %add3A_144, %mul3A_150 : i32
          %dma_start3A_152 = tpu.memref_slice %arg9[%mul3A_151] : memref<10112xi32, #tpu.memory_space<vmem>> -> memref<128xi32, #tpu.memory_space<vmem>>
          %dma_start3A_153 = arith.constant 0 : i32
          %dma_start3A_154 = arith.constant 0 : i32
          %dma_start3A_155 = tpu.memref_slice %arg2[%dma_start3A_153, %dma_start3A_154] : memref<10240x16xf32, #tpu.memory_space<hbm>> -> memref<10240x16xf32, #tpu.memory_space<hbm>>
          tpu.enqueue_indirect_dma source(%dma_start3A_155 : memref<10240x16xf32, #tpu.memory_space<hbm>>) target(%arg18 : memref<128x16xf32, #tpu.memory_space<vmem>>) offsets(%dma_start3A_152 : memref<128xi32, #tpu.memory_space<vmem>>) semaphore(%arg26 : memref<!tpu.dma_semaphore, #tpu.memory_space<semaphore_mem>>)
        } else {
        }
      } else {
      }
      %add3A_96 = arith.constant 3 : i32
      %add3A_97 = arith.addi %mul3A_75, %add3A_96 : i32
      %lt3A_98 = arith.constant 79 : i32
      %lt3A_99 = arith.cmpi slt, %add3A_97, %lt3A_98 : i32
      %convert_element_type3A_100 = arith.extui %lt3A_99 : i1 to i32
      %cond3A_101 = arith.constant 0 : i32
      %cond3A_102 = arith.cmpi ne, %convert_element_type3A_100, %cond3A_101 : i32
      scf.if %cond3A_102 {
        %mul3A_132 = arith.constant 128 : i32
        %mul3A_133 = arith.muli %add3A_97, %mul3A_132 : i32
        %dma_wait3A = tpu.memref_slice %arg9[%mul3A_133] : memref<10112xi32, #tpu.memory_space<vmem>> -> memref<128xi32, #tpu.memory_space<vmem>>
        %dma_wait3A_134 = arith.constant 0 : i32
        %dma_wait3A_135 = arith.constant 0 : i32
        %dma_wait3A_136 = tpu.memref_slice %arg2[%dma_wait3A_134, %dma_wait3A_135] : memref<10240x16xf32, #tpu.memory_space<hbm>> -> memref<10240x16xf32, #tpu.memory_space<hbm>>
        tpu.wait_indirect_dma semaphore(%arg27 : memref<!tpu.dma_semaphore, #tpu.memory_space<semaphore_mem>>) src(%dma_wait3A_136 : memref<10240x16xf32, #tpu.memory_space<hbm>>) dst(%arg19 : memref<128x16xf32, #tpu.memory_space<vmem>>)
        "tpu.region"() ({
          %run_scoped3A_150 = tpu.sem_alloc : memref<!tpu.dma_semaphore, #tpu.memory_space<semaphore_mem>>
          %dma_start3A_151 = arith.constant 0 : i32
          %dma_start3A_152 = tpu.memref_slice %arg11[%add3A_97, %dma_start3A_151] : memref<79x128xi32, #tpu.memory_space<vmem>> -> memref<1x128xi32, #tpu.memory_space<vmem>>
          %dma_start3A_153 = tpu.memref_squeeze %dma_start3A_152 : memref<1x128xi32, #tpu.memory_space<vmem>> -> memref<128xi32, #tpu.memory_space<vmem>>
          %dma_start3A_154 = arith.constant 0 : i32
          %dma_start3A_155 = arith.constant 0 : i32
          %dma_start3A_156 = tpu.memref_slice %arg33[%dma_start3A_154, %dma_start3A_155] : memref<10240x16xf32, #tpu.memory_space<vmem_shared>> -> memref<10240x16xf32, #tpu.memory_space<vmem_shared>>
          tpu.enqueue_indirect_dma source(%arg19 : memref<128x16xf32, #tpu.memory_space<vmem>>) target(%dma_start3A_156 : memref<10240x16xf32, #tpu.memory_space<vmem_shared>>) offsets(%dma_start3A_153 : memref<128xi32, #tpu.memory_space<vmem>>) semaphore(%run_scoped3A_150 : memref<!tpu.dma_semaphore, #tpu.memory_space<semaphore_mem>>) {add = true}
          %dma_wait3A_157 = arith.constant 0 : i32
          %dma_wait3A_158 = tpu.memref_slice %arg11[%add3A_97, %dma_wait3A_157] : memref<79x128xi32, #tpu.memory_space<vmem>> -> memref<1x128xi32, #tpu.memory_space<vmem>>
          %dma_wait3A_159 = tpu.memref_squeeze %dma_wait3A_158 : memref<1x128xi32, #tpu.memory_space<vmem>> -> memref<128xi32, #tpu.memory_space<vmem>>
          %dma_wait3A_160 = arith.constant 0 : i32
          %dma_wait3A_161 = arith.constant 0 : i32
          %dma_wait3A_162 = tpu.memref_slice %arg33[%dma_wait3A_160, %dma_wait3A_161] : memref<10240x16xf32, #tpu.memory_space<vmem_shared>> -> memref<10240x16xf32, #tpu.memory_space<vmem_shared>>
          tpu.wait_indirect_dma semaphore(%run_scoped3A_150 : memref<!tpu.dma_semaphore, #tpu.memory_space<semaphore_mem>>) src(%arg19 : memref<128x16xf32, #tpu.memory_space<vmem>>) dst(%dma_wait3A_162 : memref<10240x16xf32, #tpu.memory_space<vmem_shared>>)
          tpu.yield
        }) : () -> ()
        %dma_start3A_137 = arith.constant 0 : i32
        %dma_start3A_138 = tpu.memref_slice %arg11[%add3A_97, %dma_start3A_137] : memref<79x128xi32, #tpu.memory_space<vmem>> -> memref<1x128xi32, #tpu.memory_space<vmem>>
        %dma_start3A_139 = tpu.memref_squeeze %dma_start3A_138 : memref<1x128xi32, #tpu.memory_space<vmem>> -> memref<128xi32, #tpu.memory_space<vmem>>
        %dma_start3A_140 = arith.constant 0 : i32
        %dma_start3A_141 = arith.constant 0 : i32
        %dma_start3A_142 = tpu.memref_slice %arg34[%dma_start3A_140, %dma_start3A_141] : memref<10240x8xf32, #tpu.memory_space<vmem_shared>> -> memref<10240x8xf32, #tpu.memory_space<vmem_shared>>
        tpu.enqueue_indirect_dma source(%arg12 : memref<128x8xf32, #tpu.memory_space<vmem>>) target(%dma_start3A_142 : memref<10240x8xf32, #tpu.memory_space<vmem_shared>>) offsets(%dma_start3A_139 : memref<128xi32, #tpu.memory_space<vmem>>) semaphore(%arg32 : memref<!tpu.dma_semaphore, #tpu.memory_space<semaphore_mem>>) {add = true}
        %add3A_143 = arith.constant 8 : i32
        %add3A_144 = arith.addi %add3A_97, %add3A_143 : i32
        %lt3A_145 = arith.constant 79 : i32
        %lt3A_146 = arith.cmpi slt, %add3A_144, %lt3A_145 : i32
        %convert_element_type3A_147 = arith.extui %lt3A_146 : i1 to i32
        %cond3A_148 = arith.constant 0 : i32
        %cond3A_149 = arith.cmpi ne, %convert_element_type3A_147, %cond3A_148 : i32
        scf.if %cond3A_149 {
          %mul3A_150 = arith.constant 128 : i32
          %mul3A_151 = arith.muli %add3A_144, %mul3A_150 : i32
          %dma_start3A_152 = tpu.memref_slice %arg9[%mul3A_151] : memref<10112xi32, #tpu.memory_space<vmem>> -> memref<128xi32, #tpu.memory_space<vmem>>
          %dma_start3A_153 = arith.constant 0 : i32
          %dma_start3A_154 = arith.constant 0 : i32
          %dma_start3A_155 = tpu.memref_slice %arg2[%dma_start3A_153, %dma_start3A_154] : memref<10240x16xf32, #tpu.memory_space<hbm>> -> memref<10240x16xf32, #tpu.memory_space<hbm>>
          tpu.enqueue_indirect_dma source(%dma_start3A_155 : memref<10240x16xf32, #tpu.memory_space<hbm>>) target(%arg19 : memref<128x16xf32, #tpu.memory_space<vmem>>) offsets(%dma_start3A_152 : memref<128xi32, #tpu.memory_space<vmem>>) semaphore(%arg27 : memref<!tpu.dma_semaphore, #tpu.memory_space<semaphore_mem>>)
        } else {
        }
      } else {
      }
      %add3A_103 = arith.constant 4 : i32
      %add3A_104 = arith.addi %mul3A_75, %add3A_103 : i32
      %lt3A_105 = arith.constant 79 : i32
      %lt3A_106 = arith.cmpi slt, %add3A_104, %lt3A_105 : i32
      %convert_element_type3A_107 = arith.extui %lt3A_106 : i1 to i32
      %cond3A_108 = arith.constant 0 : i32
      %cond3A_109 = arith.cmpi ne, %convert_element_type3A_107, %cond3A_108 : i32
      scf.if %cond3A_109 {
        %mul3A_132 = arith.constant 128 : i32
        %mul3A_133 = arith.muli %add3A_104, %mul3A_132 : i32
        %dma_wait3A = tpu.memref_slice %arg9[%mul3A_133] : memref<10112xi32, #tpu.memory_space<vmem>> -> memref<128xi32, #tpu.memory_space<vmem>>
        %dma_wait3A_134 = arith.constant 0 : i32
        %dma_wait3A_135 = arith.constant 0 : i32
        %dma_wait3A_136 = tpu.memref_slice %arg2[%dma_wait3A_134, %dma_wait3A_135] : memref<10240x16xf32, #tpu.memory_space<hbm>> -> memref<10240x16xf32, #tpu.memory_space<hbm>>
        tpu.wait_indirect_dma semaphore(%arg28 : memref<!tpu.dma_semaphore, #tpu.memory_space<semaphore_mem>>) src(%dma_wait3A_136 : memref<10240x16xf32, #tpu.memory_space<hbm>>) dst(%arg20 : memref<128x16xf32, #tpu.memory_space<vmem>>)
        "tpu.region"() ({
          %run_scoped3A_150 = tpu.sem_alloc : memref<!tpu.dma_semaphore, #tpu.memory_space<semaphore_mem>>
          %dma_start3A_151 = arith.constant 0 : i32
          %dma_start3A_152 = tpu.memref_slice %arg11[%add3A_104, %dma_start3A_151] : memref<79x128xi32, #tpu.memory_space<vmem>> -> memref<1x128xi32, #tpu.memory_space<vmem>>
          %dma_start3A_153 = tpu.memref_squeeze %dma_start3A_152 : memref<1x128xi32, #tpu.memory_space<vmem>> -> memref<128xi32, #tpu.memory_space<vmem>>
          %dma_start3A_154 = arith.constant 0 : i32
          %dma_start3A_155 = arith.constant 0 : i32
          %dma_start3A_156 = tpu.memref_slice %arg33[%dma_start3A_154, %dma_start3A_155] : memref<10240x16xf32, #tpu.memory_space<vmem_shared>> -> memref<10240x16xf32, #tpu.memory_space<vmem_shared>>
          tpu.enqueue_indirect_dma source(%arg20 : memref<128x16xf32, #tpu.memory_space<vmem>>) target(%dma_start3A_156 : memref<10240x16xf32, #tpu.memory_space<vmem_shared>>) offsets(%dma_start3A_153 : memref<128xi32, #tpu.memory_space<vmem>>) semaphore(%run_scoped3A_150 : memref<!tpu.dma_semaphore, #tpu.memory_space<semaphore_mem>>) {add = true}
          %dma_wait3A_157 = arith.constant 0 : i32
          %dma_wait3A_158 = tpu.memref_slice %arg11[%add3A_104, %dma_wait3A_157] : memref<79x128xi32, #tpu.memory_space<vmem>> -> memref<1x128xi32, #tpu.memory_space<vmem>>
          %dma_wait3A_159 = tpu.memref_squeeze %dma_wait3A_158 : memref<1x128xi32, #tpu.memory_space<vmem>> -> memref<128xi32, #tpu.memory_space<vmem>>
          %dma_wait3A_160 = arith.constant 0 : i32
          %dma_wait3A_161 = arith.constant 0 : i32
          %dma_wait3A_162 = tpu.memref_slice %arg33[%dma_wait3A_160, %dma_wait3A_161] : memref<10240x16xf32, #tpu.memory_space<vmem_shared>> -> memref<10240x16xf32, #tpu.memory_space<vmem_shared>>
          tpu.wait_indirect_dma semaphore(%run_scoped3A_150 : memref<!tpu.dma_semaphore, #tpu.memory_space<semaphore_mem>>) src(%arg20 : memref<128x16xf32, #tpu.memory_space<vmem>>) dst(%dma_wait3A_162 : memref<10240x16xf32, #tpu.memory_space<vmem_shared>>)
          tpu.yield
        }) : () -> ()
        %dma_start3A_137 = arith.constant 0 : i32
        %dma_start3A_138 = tpu.memref_slice %arg11[%add3A_104, %dma_start3A_137] : memref<79x128xi32, #tpu.memory_space<vmem>> -> memref<1x128xi32, #tpu.memory_space<vmem>>
        %dma_start3A_139 = tpu.memref_squeeze %dma_start3A_138 : memref<1x128xi32, #tpu.memory_space<vmem>> -> memref<128xi32, #tpu.memory_space<vmem>>
        %dma_start3A_140 = arith.constant 0 : i32
        %dma_start3A_141 = arith.constant 0 : i32
        %dma_start3A_142 = tpu.memref_slice %arg34[%dma_start3A_140, %dma_start3A_141] : memref<10240x8xf32, #tpu.memory_space<vmem_shared>> -> memref<10240x8xf32, #tpu.memory_space<vmem_shared>>
        tpu.enqueue_indirect_dma source(%arg12 : memref<128x8xf32, #tpu.memory_space<vmem>>) target(%dma_start3A_142 : memref<10240x8xf32, #tpu.memory_space<vmem_shared>>) offsets(%dma_start3A_139 : memref<128xi32, #tpu.memory_space<vmem>>) semaphore(%arg32 : memref<!tpu.dma_semaphore, #tpu.memory_space<semaphore_mem>>) {add = true}
        %add3A_143 = arith.constant 8 : i32
        %add3A_144 = arith.addi %add3A_104, %add3A_143 : i32
        %lt3A_145 = arith.constant 79 : i32
        %lt3A_146 = arith.cmpi slt, %add3A_144, %lt3A_145 : i32
        %convert_element_type3A_147 = arith.extui %lt3A_146 : i1 to i32
        %cond3A_148 = arith.constant 0 : i32
        %cond3A_149 = arith.cmpi ne, %convert_element_type3A_147, %cond3A_148 : i32
        scf.if %cond3A_149 {
          %mul3A_150 = arith.constant 128 : i32
          %mul3A_151 = arith.muli %add3A_144, %mul3A_150 : i32
          %dma_start3A_152 = tpu.memref_slice %arg9[%mul3A_151] : memref<10112xi32, #tpu.memory_space<vmem>> -> memref<128xi32, #tpu.memory_space<vmem>>
          %dma_start3A_153 = arith.constant 0 : i32
          %dma_start3A_154 = arith.constant 0 : i32
          %dma_start3A_155 = tpu.memref_slice %arg2[%dma_start3A_153, %dma_start3A_154] : memref<10240x16xf32, #tpu.memory_space<hbm>> -> memref<10240x16xf32, #tpu.memory_space<hbm>>
          tpu.enqueue_indirect_dma source(%dma_start3A_155 : memref<10240x16xf32, #tpu.memory_space<hbm>>) target(%arg20 : memref<128x16xf32, #tpu.memory_space<vmem>>) offsets(%dma_start3A_152 : memref<128xi32, #tpu.memory_space<vmem>>) semaphore(%arg28 : memref<!tpu.dma_semaphore, #tpu.memory_space<semaphore_mem>>)
        } else {
        }
      } else {
      }
      %add3A_110 = arith.constant 5 : i32
      %add3A_111 = arith.addi %mul3A_75, %add3A_110 : i32
      %lt3A_112 = arith.constant 79 : i32
      %lt3A_113 = arith.cmpi slt, %add3A_111, %lt3A_112 : i32
      %convert_element_type3A_114 = arith.extui %lt3A_113 : i1 to i32
      %cond3A_115 = arith.constant 0 : i32
      %cond3A_116 = arith.cmpi ne, %convert_element_type3A_114, %cond3A_115 : i32
      scf.if %cond3A_116 {
        %mul3A_132 = arith.constant 128 : i32
        %mul3A_133 = arith.muli %add3A_111, %mul3A_132 : i32
        %dma_wait3A = tpu.memref_slice %arg9[%mul3A_133] : memref<10112xi32, #tpu.memory_space<vmem>> -> memref<128xi32, #tpu.memory_space<vmem>>
        %dma_wait3A_134 = arith.constant 0 : i32
        %dma_wait3A_135 = arith.constant 0 : i32
        %dma_wait3A_136 = tpu.memref_slice %arg2[%dma_wait3A_134, %dma_wait3A_135] : memref<10240x16xf32, #tpu.memory_space<hbm>> -> memref<10240x16xf32, #tpu.memory_space<hbm>>
        tpu.wait_indirect_dma semaphore(%arg29 : memref<!tpu.dma_semaphore, #tpu.memory_space<semaphore_mem>>) src(%dma_wait3A_136 : memref<10240x16xf32, #tpu.memory_space<hbm>>) dst(%arg21 : memref<128x16xf32, #tpu.memory_space<vmem>>)
        "tpu.region"() ({
          %run_scoped3A_150 = tpu.sem_alloc : memref<!tpu.dma_semaphore, #tpu.memory_space<semaphore_mem>>
          %dma_start3A_151 = arith.constant 0 : i32
          %dma_start3A_152 = tpu.memref_slice %arg11[%add3A_111, %dma_start3A_151] : memref<79x128xi32, #tpu.memory_space<vmem>> -> memref<1x128xi32, #tpu.memory_space<vmem>>
          %dma_start3A_153 = tpu.memref_squeeze %dma_start3A_152 : memref<1x128xi32, #tpu.memory_space<vmem>> -> memref<128xi32, #tpu.memory_space<vmem>>
          %dma_start3A_154 = arith.constant 0 : i32
          %dma_start3A_155 = arith.constant 0 : i32
          %dma_start3A_156 = tpu.memref_slice %arg33[%dma_start3A_154, %dma_start3A_155] : memref<10240x16xf32, #tpu.memory_space<vmem_shared>> -> memref<10240x16xf32, #tpu.memory_space<vmem_shared>>
          tpu.enqueue_indirect_dma source(%arg21 : memref<128x16xf32, #tpu.memory_space<vmem>>) target(%dma_start3A_156 : memref<10240x16xf32, #tpu.memory_space<vmem_shared>>) offsets(%dma_start3A_153 : memref<128xi32, #tpu.memory_space<vmem>>) semaphore(%run_scoped3A_150 : memref<!tpu.dma_semaphore, #tpu.memory_space<semaphore_mem>>) {add = true}
          %dma_wait3A_157 = arith.constant 0 : i32
          %dma_wait3A_158 = tpu.memref_slice %arg11[%add3A_111, %dma_wait3A_157] : memref<79x128xi32, #tpu.memory_space<vmem>> -> memref<1x128xi32, #tpu.memory_space<vmem>>
          %dma_wait3A_159 = tpu.memref_squeeze %dma_wait3A_158 : memref<1x128xi32, #tpu.memory_space<vmem>> -> memref<128xi32, #tpu.memory_space<vmem>>
          %dma_wait3A_160 = arith.constant 0 : i32
          %dma_wait3A_161 = arith.constant 0 : i32
          %dma_wait3A_162 = tpu.memref_slice %arg33[%dma_wait3A_160, %dma_wait3A_161] : memref<10240x16xf32, #tpu.memory_space<vmem_shared>> -> memref<10240x16xf32, #tpu.memory_space<vmem_shared>>
          tpu.wait_indirect_dma semaphore(%run_scoped3A_150 : memref<!tpu.dma_semaphore, #tpu.memory_space<semaphore_mem>>) src(%arg21 : memref<128x16xf32, #tpu.memory_space<vmem>>) dst(%dma_wait3A_162 : memref<10240x16xf32, #tpu.memory_space<vmem_shared>>)
          tpu.yield
        }) : () -> ()
        %dma_start3A_137 = arith.constant 0 : i32
        %dma_start3A_138 = tpu.memref_slice %arg11[%add3A_111, %dma_start3A_137] : memref<79x128xi32, #tpu.memory_space<vmem>> -> memref<1x128xi32, #tpu.memory_space<vmem>>
        %dma_start3A_139 = tpu.memref_squeeze %dma_start3A_138 : memref<1x128xi32, #tpu.memory_space<vmem>> -> memref<128xi32, #tpu.memory_space<vmem>>
        %dma_start3A_140 = arith.constant 0 : i32
        %dma_start3A_141 = arith.constant 0 : i32
        %dma_start3A_142 = tpu.memref_slice %arg34[%dma_start3A_140, %dma_start3A_141] : memref<10240x8xf32, #tpu.memory_space<vmem_shared>> -> memref<10240x8xf32, #tpu.memory_space<vmem_shared>>
        tpu.enqueue_indirect_dma source(%arg12 : memref<128x8xf32, #tpu.memory_space<vmem>>) target(%dma_start3A_142 : memref<10240x8xf32, #tpu.memory_space<vmem_shared>>) offsets(%dma_start3A_139 : memref<128xi32, #tpu.memory_space<vmem>>) semaphore(%arg32 : memref<!tpu.dma_semaphore, #tpu.memory_space<semaphore_mem>>) {add = true}
        %add3A_143 = arith.constant 8 : i32
        %add3A_144 = arith.addi %add3A_111, %add3A_143 : i32
        %lt3A_145 = arith.constant 79 : i32
        %lt3A_146 = arith.cmpi slt, %add3A_144, %lt3A_145 : i32
        %convert_element_type3A_147 = arith.extui %lt3A_146 : i1 to i32
        %cond3A_148 = arith.constant 0 : i32
        %cond3A_149 = arith.cmpi ne, %convert_element_type3A_147, %cond3A_148 : i32
        scf.if %cond3A_149 {
          %mul3A_150 = arith.constant 128 : i32
          %mul3A_151 = arith.muli %add3A_144, %mul3A_150 : i32
          %dma_start3A_152 = tpu.memref_slice %arg9[%mul3A_151] : memref<10112xi32, #tpu.memory_space<vmem>> -> memref<128xi32, #tpu.memory_space<vmem>>
          %dma_start3A_153 = arith.constant 0 : i32
          %dma_start3A_154 = arith.constant 0 : i32
          %dma_start3A_155 = tpu.memref_slice %arg2[%dma_start3A_153, %dma_start3A_154] : memref<10240x16xf32, #tpu.memory_space<hbm>> -> memref<10240x16xf32, #tpu.memory_space<hbm>>
          tpu.enqueue_indirect_dma source(%dma_start3A_155 : memref<10240x16xf32, #tpu.memory_space<hbm>>) target(%arg21 : memref<128x16xf32, #tpu.memory_space<vmem>>) offsets(%dma_start3A_152 : memref<128xi32, #tpu.memory_space<vmem>>) semaphore(%arg29 : memref<!tpu.dma_semaphore, #tpu.memory_space<semaphore_mem>>)
        } else {
        }
      } else {
      }
      %add3A_117 = arith.constant 6 : i32
      %add3A_118 = arith.addi %mul3A_75, %add3A_117 : i32
      %lt3A_119 = arith.constant 79 : i32
      %lt3A_120 = arith.cmpi slt, %add3A_118, %lt3A_119 : i32
      %convert_element_type3A_121 = arith.extui %lt3A_120 : i1 to i32
      %cond3A_122 = arith.constant 0 : i32
      %cond3A_123 = arith.cmpi ne, %convert_element_type3A_121, %cond3A_122 : i32
      scf.if %cond3A_123 {
        %mul3A_132 = arith.constant 128 : i32
        %mul3A_133 = arith.muli %add3A_118, %mul3A_132 : i32
        %dma_wait3A = tpu.memref_slice %arg9[%mul3A_133] : memref<10112xi32, #tpu.memory_space<vmem>> -> memref<128xi32, #tpu.memory_space<vmem>>
        %dma_wait3A_134 = arith.constant 0 : i32
        %dma_wait3A_135 = arith.constant 0 : i32
        %dma_wait3A_136 = tpu.memref_slice %arg2[%dma_wait3A_134, %dma_wait3A_135] : memref<10240x16xf32, #tpu.memory_space<hbm>> -> memref<10240x16xf32, #tpu.memory_space<hbm>>
        tpu.wait_indirect_dma semaphore(%arg30 : memref<!tpu.dma_semaphore, #tpu.memory_space<semaphore_mem>>) src(%dma_wait3A_136 : memref<10240x16xf32, #tpu.memory_space<hbm>>) dst(%arg22 : memref<128x16xf32, #tpu.memory_space<vmem>>)
        "tpu.region"() ({
          %run_scoped3A_150 = tpu.sem_alloc : memref<!tpu.dma_semaphore, #tpu.memory_space<semaphore_mem>>
          %dma_start3A_151 = arith.constant 0 : i32
          %dma_start3A_152 = tpu.memref_slice %arg11[%add3A_118, %dma_start3A_151] : memref<79x128xi32, #tpu.memory_space<vmem>> -> memref<1x128xi32, #tpu.memory_space<vmem>>
          %dma_start3A_153 = tpu.memref_squeeze %dma_start3A_152 : memref<1x128xi32, #tpu.memory_space<vmem>> -> memref<128xi32, #tpu.memory_space<vmem>>
          %dma_start3A_154 = arith.constant 0 : i32
          %dma_start3A_155 = arith.constant 0 : i32
          %dma_start3A_156 = tpu.memref_slice %arg33[%dma_start3A_154, %dma_start3A_155] : memref<10240x16xf32, #tpu.memory_space<vmem_shared>> -> memref<10240x16xf32, #tpu.memory_space<vmem_shared>>
          tpu.enqueue_indirect_dma source(%arg22 : memref<128x16xf32, #tpu.memory_space<vmem>>) target(%dma_start3A_156 : memref<10240x16xf32, #tpu.memory_space<vmem_shared>>) offsets(%dma_start3A_153 : memref<128xi32, #tpu.memory_space<vmem>>) semaphore(%run_scoped3A_150 : memref<!tpu.dma_semaphore, #tpu.memory_space<semaphore_mem>>) {add = true}
          %dma_wait3A_157 = arith.constant 0 : i32
          %dma_wait3A_158 = tpu.memref_slice %arg11[%add3A_118, %dma_wait3A_157] : memref<79x128xi32, #tpu.memory_space<vmem>> -> memref<1x128xi32, #tpu.memory_space<vmem>>
          %dma_wait3A_159 = tpu.memref_squeeze %dma_wait3A_158 : memref<1x128xi32, #tpu.memory_space<vmem>> -> memref<128xi32, #tpu.memory_space<vmem>>
          %dma_wait3A_160 = arith.constant 0 : i32
          %dma_wait3A_161 = arith.constant 0 : i32
          %dma_wait3A_162 = tpu.memref_slice %arg33[%dma_wait3A_160, %dma_wait3A_161] : memref<10240x16xf32, #tpu.memory_space<vmem_shared>> -> memref<10240x16xf32, #tpu.memory_space<vmem_shared>>
          tpu.wait_indirect_dma semaphore(%run_scoped3A_150 : memref<!tpu.dma_semaphore, #tpu.memory_space<semaphore_mem>>) src(%arg22 : memref<128x16xf32, #tpu.memory_space<vmem>>) dst(%dma_wait3A_162 : memref<10240x16xf32, #tpu.memory_space<vmem_shared>>)
          tpu.yield
        }) : () -> ()
        %dma_start3A_137 = arith.constant 0 : i32
        %dma_start3A_138 = tpu.memref_slice %arg11[%add3A_118, %dma_start3A_137] : memref<79x128xi32, #tpu.memory_space<vmem>> -> memref<1x128xi32, #tpu.memory_space<vmem>>
        %dma_start3A_139 = tpu.memref_squeeze %dma_start3A_138 : memref<1x128xi32, #tpu.memory_space<vmem>> -> memref<128xi32, #tpu.memory_space<vmem>>
        %dma_start3A_140 = arith.constant 0 : i32
        %dma_start3A_141 = arith.constant 0 : i32
        %dma_start3A_142 = tpu.memref_slice %arg34[%dma_start3A_140, %dma_start3A_141] : memref<10240x8xf32, #tpu.memory_space<vmem_shared>> -> memref<10240x8xf32, #tpu.memory_space<vmem_shared>>
        tpu.enqueue_indirect_dma source(%arg12 : memref<128x8xf32, #tpu.memory_space<vmem>>) target(%dma_start3A_142 : memref<10240x8xf32, #tpu.memory_space<vmem_shared>>) offsets(%dma_start3A_139 : memref<128xi32, #tpu.memory_space<vmem>>) semaphore(%arg32 : memref<!tpu.dma_semaphore, #tpu.memory_space<semaphore_mem>>) {add = true}
        %add3A_143 = arith.constant 8 : i32
        %add3A_144 = arith.addi %add3A_118, %add3A_143 : i32
        %lt3A_145 = arith.constant 79 : i32
        %lt3A_146 = arith.cmpi slt, %add3A_144, %lt3A_145 : i32
        %convert_element_type3A_147 = arith.extui %lt3A_146 : i1 to i32
        %cond3A_148 = arith.constant 0 : i32
        %cond3A_149 = arith.cmpi ne, %convert_element_type3A_147, %cond3A_148 : i32
        scf.if %cond3A_149 {
          %mul3A_150 = arith.constant 128 : i32
          %mul3A_151 = arith.muli %add3A_144, %mul3A_150 : i32
          %dma_start3A_152 = tpu.memref_slice %arg9[%mul3A_151] : memref<10112xi32, #tpu.memory_space<vmem>> -> memref<128xi32, #tpu.memory_space<vmem>>
          %dma_start3A_153 = arith.constant 0 : i32
          %dma_start3A_154 = arith.constant 0 : i32
          %dma_start3A_155 = tpu.memref_slice %arg2[%dma_start3A_153, %dma_start3A_154] : memref<10240x16xf32, #tpu.memory_space<hbm>> -> memref<10240x16xf32, #tpu.memory_space<hbm>>
          tpu.enqueue_indirect_dma source(%dma_start3A_155 : memref<10240x16xf32, #tpu.memory_space<hbm>>) target(%arg22 : memref<128x16xf32, #tpu.memory_space<vmem>>) offsets(%dma_start3A_152 : memref<128xi32, #tpu.memory_space<vmem>>) semaphore(%arg30 : memref<!tpu.dma_semaphore, #tpu.memory_space<semaphore_mem>>)
        } else {
        }
      } else {
      }
      %add3A_124 = arith.constant 7 : i32
      %add3A_125 = arith.addi %mul3A_75, %add3A_124 : i32
      %lt3A_126 = arith.constant 79 : i32
      %lt3A_127 = arith.cmpi slt, %add3A_125, %lt3A_126 : i32
      %convert_element_type3A_128 = arith.extui %lt3A_127 : i1 to i32
      %cond3A_129 = arith.constant 0 : i32
      %cond3A_130 = arith.cmpi ne, %convert_element_type3A_128, %cond3A_129 : i32
      scf.if %cond3A_130 {
        %mul3A_132 = arith.constant 128 : i32
        %mul3A_133 = arith.muli %add3A_125, %mul3A_132 : i32
        %dma_wait3A = tpu.memref_slice %arg9[%mul3A_133] : memref<10112xi32, #tpu.memory_space<vmem>> -> memref<128xi32, #tpu.memory_space<vmem>>
        %dma_wait3A_134 = arith.constant 0 : i32
        %dma_wait3A_135 = arith.constant 0 : i32
        %dma_wait3A_136 = tpu.memref_slice %arg2[%dma_wait3A_134, %dma_wait3A_135] : memref<10240x16xf32, #tpu.memory_space<hbm>> -> memref<10240x16xf32, #tpu.memory_space<hbm>>
        tpu.wait_indirect_dma semaphore(%arg31 : memref<!tpu.dma_semaphore, #tpu.memory_space<semaphore_mem>>) src(%dma_wait3A_136 : memref<10240x16xf32, #tpu.memory_space<hbm>>) dst(%arg23 : memref<128x16xf32, #tpu.memory_space<vmem>>)
        "tpu.region"() ({
          %run_scoped3A_150 = tpu.sem_alloc : memref<!tpu.dma_semaphore, #tpu.memory_space<semaphore_mem>>
          %dma_start3A_151 = arith.constant 0 : i32
          %dma_start3A_152 = tpu.memref_slice %arg11[%add3A_125, %dma_start3A_151] : memref<79x128xi32, #tpu.memory_space<vmem>> -> memref<1x128xi32, #tpu.memory_space<vmem>>
          %dma_start3A_153 = tpu.memref_squeeze %dma_start3A_152 : memref<1x128xi32, #tpu.memory_space<vmem>> -> memref<128xi32, #tpu.memory_space<vmem>>
          %dma_start3A_154 = arith.constant 0 : i32
          %dma_start3A_155 = arith.constant 0 : i32
          %dma_start3A_156 = tpu.memref_slice %arg33[%dma_start3A_154, %dma_start3A_155] : memref<10240x16xf32, #tpu.memory_space<vmem_shared>> -> memref<10240x16xf32, #tpu.memory_space<vmem_shared>>
          tpu.enqueue_indirect_dma source(%arg23 : memref<128x16xf32, #tpu.memory_space<vmem>>) target(%dma_start3A_156 : memref<10240x16xf32, #tpu.memory_space<vmem_shared>>) offsets(%dma_start3A_153 : memref<128xi32, #tpu.memory_space<vmem>>) semaphore(%run_scoped3A_150 : memref<!tpu.dma_semaphore, #tpu.memory_space<semaphore_mem>>) {add = true}
          %dma_wait3A_157 = arith.constant 0 : i32
          %dma_wait3A_158 = tpu.memref_slice %arg11[%add3A_125, %dma_wait3A_157] : memref<79x128xi32, #tpu.memory_space<vmem>> -> memref<1x128xi32, #tpu.memory_space<vmem>>
          %dma_wait3A_159 = tpu.memref_squeeze %dma_wait3A_158 : memref<1x128xi32, #tpu.memory_space<vmem>> -> memref<128xi32, #tpu.memory_space<vmem>>
          %dma_wait3A_160 = arith.constant 0 : i32
          %dma_wait3A_161 = arith.constant 0 : i32
          %dma_wait3A_162 = tpu.memref_slice %arg33[%dma_wait3A_160, %dma_wait3A_161] : memref<10240x16xf32, #tpu.memory_space<vmem_shared>> -> memref<10240x16xf32, #tpu.memory_space<vmem_shared>>
          tpu.wait_indirect_dma semaphore(%run_scoped3A_150 : memref<!tpu.dma_semaphore, #tpu.memory_space<semaphore_mem>>) src(%arg23 : memref<128x16xf32, #tpu.memory_space<vmem>>) dst(%dma_wait3A_162 : memref<10240x16xf32, #tpu.memory_space<vmem_shared>>)
          tpu.yield
        }) : () -> ()
        %dma_start3A_137 = arith.constant 0 : i32
        %dma_start3A_138 = tpu.memref_slice %arg11[%add3A_125, %dma_start3A_137] : memref<79x128xi32, #tpu.memory_space<vmem>> -> memref<1x128xi32, #tpu.memory_space<vmem>>
        %dma_start3A_139 = tpu.memref_squeeze %dma_start3A_138 : memref<1x128xi32, #tpu.memory_space<vmem>> -> memref<128xi32, #tpu.memory_space<vmem>>
        %dma_start3A_140 = arith.constant 0 : i32
        %dma_start3A_141 = arith.constant 0 : i32
        %dma_start3A_142 = tpu.memref_slice %arg34[%dma_start3A_140, %dma_start3A_141] : memref<10240x8xf32, #tpu.memory_space<vmem_shared>> -> memref<10240x8xf32, #tpu.memory_space<vmem_shared>>
        tpu.enqueue_indirect_dma source(%arg12 : memref<128x8xf32, #tpu.memory_space<vmem>>) target(%dma_start3A_142 : memref<10240x8xf32, #tpu.memory_space<vmem_shared>>) offsets(%dma_start3A_139 : memref<128xi32, #tpu.memory_space<vmem>>) semaphore(%arg32 : memref<!tpu.dma_semaphore, #tpu.memory_space<semaphore_mem>>) {add = true}
        %add3A_143 = arith.constant 8 : i32
        %add3A_144 = arith.addi %add3A_125, %add3A_143 : i32
        %lt3A_145 = arith.constant 79 : i32
        %lt3A_146 = arith.cmpi slt, %add3A_144, %lt3A_145 : i32
        %convert_element_type3A_147 = arith.extui %lt3A_146 : i1 to i32
        %cond3A_148 = arith.constant 0 : i32
        %cond3A_149 = arith.cmpi ne, %convert_element_type3A_147, %cond3A_148 : i32
        scf.if %cond3A_149 {
          %mul3A_150 = arith.constant 128 : i32
          %mul3A_151 = arith.muli %add3A_144, %mul3A_150 : i32
          %dma_start3A_152 = tpu.memref_slice %arg9[%mul3A_151] : memref<10112xi32, #tpu.memory_space<vmem>> -> memref<128xi32, #tpu.memory_space<vmem>>
          %dma_start3A_153 = arith.constant 0 : i32
          %dma_start3A_154 = arith.constant 0 : i32
          %dma_start3A_155 = tpu.memref_slice %arg2[%dma_start3A_153, %dma_start3A_154] : memref<10240x16xf32, #tpu.memory_space<hbm>> -> memref<10240x16xf32, #tpu.memory_space<hbm>>
          tpu.enqueue_indirect_dma source(%dma_start3A_155 : memref<10240x16xf32, #tpu.memory_space<hbm>>) target(%arg23 : memref<128x16xf32, #tpu.memory_space<vmem>>) offsets(%dma_start3A_152 : memref<128xi32, #tpu.memory_space<vmem>>) semaphore(%arg31 : memref<!tpu.dma_semaphore, #tpu.memory_space<semaphore_mem>>)
        } else {
        }
      } else {
      }
      %scan3A_131 = arith.constant 0 : i32
      scf.yield %scan3A_131 : i32
    }
    %scan3A_60 = arith.constant 10 : i32
    %scan3A_61 = arith.constant 0 : i32
    %scan3A_62 = arith.constant 0 : i32
    %scan3A_63 = arith.constant 79 : i32
    %scan3A_64 = arith.addi %scan3A_62, %scan3A_63 : i32
    %scan3A_65 = arith.constant 1 : i32
    %scan3A_66 = scf.for %scan3A_72 = %scan3A_62 to %scan3A_64 step %scan3A_65 iter_args(%scan3A_73 = %scan3A_61) -> (i32)  : i32 {
      %dma_wait3A = arith.constant 0 : i32
      %dma_wait3A_74 = arith.constant 0 : i32
      %dma_wait3A_75 = tpu.memref_slice %arg11[%dma_wait3A, %dma_wait3A_74] : memref<79x128xi32, #tpu.memory_space<vmem>> -> memref<1x128xi32, #tpu.memory_space<vmem>>
      %dma_wait3A_76 = tpu.memref_squeeze %dma_wait3A_75 : memref<1x128xi32, #tpu.memory_space<vmem>> -> memref<128xi32, #tpu.memory_space<vmem>>
      %dma_wait3A_77 = arith.constant 0 : i32
      %dma_wait3A_78 = arith.constant 0 : i32
      %dma_wait3A_79 = tpu.memref_slice %arg34[%dma_wait3A_77, %dma_wait3A_78] : memref<10240x8xf32, #tpu.memory_space<vmem_shared>> -> memref<10240x8xf32, #tpu.memory_space<vmem_shared>>
      tpu.wait_indirect_dma semaphore(%arg32 : memref<!tpu.dma_semaphore, #tpu.memory_space<semaphore_mem>>) src(%arg12 : memref<128x8xf32, #tpu.memory_space<vmem>>) dst(%dma_wait3A_79 : memref<10240x8xf32, #tpu.memory_space<vmem_shared>>)
      %scan3A_80 = arith.constant 0 : i32
      scf.yield %scan3A_80 : i32
    }
    %scan3A_67 = arith.constant 79 : i32
    %barrier3A_68 = arith.constant 0 : index
    tpu.barrier barrier_id(%barrier3A_68)
    "tpu.region"() ({
      %run_scoped3A_72 = tpu.sem_alloc : memref<!tpu.dma_semaphore, #tpu.memory_space<semaphore_mem>>
      %dma_start3A_73 = arith.constant 0 : i32
      %dma_start3A_74 = tpu.memref_slice %arg33[%mul3A_4, %dma_start3A_73] : memref<10240x16xf32, #tpu.memory_space<vmem_shared>> -> memref<640x16xf32, #tpu.memory_space<vmem_shared>>
      %dma_start3A_75 = arith.constant 0 : i32
      %dma_start3A_76 = tpu.memref_slice %arg33[%mul3A_4, %dma_start3A_75] : memref<10240x16xf32, #tpu.memory_space<vmem_shared>> -> memref<640x16xf32, #tpu.memory_space<vmem_shared>>
      tpu.enqueue_dma source(%dma_start3A_76 : memref<640x16xf32, #tpu.memory_space<vmem_shared>>) target(%arg13 : memref<640x16xf32, #tpu.memory_space<vmem>>) target_semaphore(%run_scoped3A_72 : memref<!tpu.dma_semaphore, #tpu.memory_space<semaphore_mem>>)
      %dma_wait3A = arith.constant 0 : i32
      %dma_wait3A_77 = tpu.memref_slice %arg33[%mul3A_4, %dma_wait3A] : memref<10240x16xf32, #tpu.memory_space<vmem_shared>> -> memref<640x16xf32, #tpu.memory_space<vmem_shared>>
      %dma_wait3A_78 = arith.constant 0 : i32
      %dma_wait3A_79 = tpu.memref_slice %arg33[%mul3A_4, %dma_wait3A_78] : memref<10240x16xf32, #tpu.memory_space<vmem_shared>> -> memref<640x16xf32, #tpu.memory_space<vmem_shared>>
      tpu.wait_dma2 semaphore(%run_scoped3A_72 : memref<!tpu.dma_semaphore, #tpu.memory_space<semaphore_mem>>) src(%dma_wait3A_79 : memref<640x16xf32, #tpu.memory_space<vmem_shared>>) dst(%arg13 : memref<640x16xf32, #tpu.memory_space<vmem>>)
      tpu.yield
    }) : () -> ()
    %eq3A_69 = arith.constant 0 : i32
    %eq3A_70 = arith.cmpi eq, %arg0, %eq3A_69 : i32
    %convert_element_type3A = arith.extui %eq3A_70 : i1 to i32
    %cond3A = arith.constant 0 : i32
    %cond3A_71 = arith.cmpi ne, %convert_element_type3A, %cond3A : i32
    scf.if %cond3A_71 {
      "tpu.region"() ({
        %run_scoped3A_79 = tpu.sem_alloc : memref<!tpu.dma_semaphore, #tpu.memory_space<semaphore_mem>>
        %dma_start3A_80 = arith.constant 0 : i32
        %dma_start3A_81 = tpu.memref_slice %arg2[%mul3A_4, %dma_start3A_80] : memref<10240x16xf32, #tpu.memory_space<hbm>> -> memref<640x16xf32, #tpu.memory_space<hbm>>
        %dma_start3A_82 = arith.constant 0 : i32
        %dma_start3A_83 = tpu.memref_slice %arg2[%mul3A_4, %dma_start3A_82] : memref<10240x16xf32, #tpu.memory_space<hbm>> -> memref<640x16xf32, #tpu.memory_space<hbm>>
        tpu.enqueue_dma source(%dma_start3A_83 : memref<640x16xf32, #tpu.memory_space<hbm>>) target(%arg15 : memref<640x16xf32, #tpu.memory_space<vmem>>) target_semaphore(%run_scoped3A_79 : memref<!tpu.dma_semaphore, #tpu.memory_space<semaphore_mem>>)
        %dma_wait3A = arith.constant 0 : i32
        %dma_wait3A_84 = tpu.memref_slice %arg2[%mul3A_4, %dma_wait3A] : memref<10240x16xf32, #tpu.memory_space<hbm>> -> memref<640x16xf32, #tpu.memory_space<hbm>>
        %dma_wait3A_85 = arith.constant 0 : i32
        %dma_wait3A_86 = tpu.memref_slice %arg2[%mul3A_4, %dma_wait3A_85] : memref<10240x16xf32, #tpu.memory_space<hbm>> -> memref<640x16xf32, #tpu.memory_space<hbm>>
        tpu.wait_dma2 semaphore(%run_scoped3A_79 : memref<!tpu.dma_semaphore, #tpu.memory_space<semaphore_mem>>) src(%dma_wait3A_86 : memref<640x16xf32, #tpu.memory_space<hbm>>) dst(%arg15 : memref<640x16xf32, #tpu.memory_space<vmem>>)
        tpu.yield
      }) : () -> ()
      %scan3A_72 = arith.constant 0 : i32
      %scan3A_73 = arith.constant 0 : i32
      %scan3A_74 = arith.constant 640 : i32
      %scan3A_75 = arith.addi %scan3A_73, %scan3A_74 : i32
      %scan3A_76 = arith.constant 1 : i32
      %scan3A_77 = scf.for %scan3A_79 = %scan3A_73 to %scan3A_75 step %scan3A_76 iter_args(%scan3A_80 = %scan3A_72) -> (i32)  : i32 {
        %get3A = arith.index_cast %scan3A_79 : i32 to index
        %get3A_81 = arith.constant 0 : index
        %get3A_82 = tpu.vector_load %arg13[%get3A, %get3A_81] {strides = array<i32>} : memref<640x16xf32, #tpu.memory_space<vmem>>, vector<1x16xf32>,
        %get3A_83 = vector.shape_cast %get3A_82 : vector<1x16xf32> to vector<16xf32>
        %get3A_84 = arith.index_cast %scan3A_79 : i32 to index
        %get3A_85 = arith.constant 0 : index
        %get3A_86 = tpu.vector_load %arg15[%get3A_84, %get3A_85] {strides = array<i32>} : memref<640x16xf32, #tpu.memory_space<vmem>>, vector<1x16xf32>,
        %get3A_87 = vector.shape_cast %get3A_86 : vector<1x16xf32> to vector<16xf32>
        %add3A_88 = arith.addf %get3A_83, %get3A_87 : vector<16xf32>
        %swap3A = arith.index_cast %scan3A_79 : i32 to index
        %swap3A_89 = arith.constant 0 : index
        %swap3A_90 = tpu.vector_load %arg13[%swap3A, %swap3A_89] {strides = array<i32>} : memref<640x16xf32, #tpu.memory_space<vmem>>, vector<1x16xf32>,
        %swap3A_91 = vector.shape_cast %swap3A_90 : vector<1x16xf32> to vector<16xf32>
        %swap3A_92 = vector.shape_cast %add3A_88 : vector<16xf32> to vector<1x16xf32>
        tpu.vector_store %arg13[%swap3A, %swap3A_89], %swap3A_92 {strides = array<i32>} : memref<640x16xf32, #tpu.memory_space<vmem>>, vector<1x16xf32>,
        %scan3A_93 = arith.constant 0 : i32
        scf.yield %scan3A_93 : i32
      }
      %scan3A_78 = arith.constant 640 : i32
    } else {
    }
    "tpu.region"() ({
      %run_scoped3A_72 = tpu.sem_alloc : memref<!tpu.dma_semaphore, #tpu.memory_space<semaphore_mem>>
      %dma_start3A_73 = arith.constant 0 : i32
      %dma_start3A_74 = tpu.memref_slice %arg7[%arg0, %mul3A_4, %dma_start3A_73] : memref<2x10240x16xf32, #tpu.memory_space<hbm>> -> memref<1x640x16xf32, #tpu.memory_space<hbm>>
      %dma_start3A_75 = tpu.memref_squeeze %dma_start3A_74 : memref<1x640x16xf32, #tpu.memory_space<hbm>> -> memref<640x16xf32, #tpu.memory_space<hbm>>
      %dma_start3A_76 = arith.constant 0 : i32
      %dma_start3A_77 = tpu.memref_slice %arg7[%arg0, %mul3A_4, %dma_start3A_76] : memref<2x10240x16xf32, #tpu.memory_space<hbm>> -> memref<1x640x16xf32, #tpu.memory_space<hbm>>
      %dma_start3A_78 = tpu.memref_squeeze %dma_start3A_77 : memref<1x640x16xf32, #tpu.memory_space<hbm>> -> memref<640x16xf32, #tpu.memory_space<hbm>>
      tpu.enqueue_dma source(%arg13 : memref<640x16xf32, #tpu.memory_space<vmem>>) target(%dma_start3A_78 : memref<640x16xf32, #tpu.memory_space<hbm>>) target_semaphore(%run_scoped3A_72 : memref<!tpu.dma_semaphore, #tpu.memory_space<semaphore_mem>>)
      %dma_wait3A = arith.constant 0 : i32
      %dma_wait3A_79 = tpu.memref_slice %arg7[%arg0, %mul3A_4, %dma_wait3A] : memref<2x10240x16xf32, #tpu.memory_space<hbm>> -> memref<1x640x16xf32, #tpu.memory_space<hbm>>
      %dma_wait3A_80 = tpu.memref_squeeze %dma_wait3A_79 : memref<1x640x16xf32, #tpu.memory_space<hbm>> -> memref<640x16xf32, #tpu.memory_space<hbm>>
      %dma_wait3A_81 = arith.constant 0 : i32
      %dma_wait3A_82 = tpu.memref_slice %arg7[%arg0, %mul3A_4, %dma_wait3A_81] : memref<2x10240x16xf32, #tpu.memory_space<hbm>> -> memref<1x640x16xf32, #tpu.memory_space<hbm>>
      %dma_wait3A_83 = tpu.memref_squeeze %dma_wait3A_82 : memref<1x640x16xf32, #tpu.memory_space<hbm>> -> memref<640x16xf32, #tpu.memory_space<hbm>>
      tpu.wait_dma2 semaphore(%run_scoped3A_72 : memref<!tpu.dma_semaphore, #tpu.memory_space<semaphore_mem>>) src(%arg13 : memref<640x16xf32, #tpu.memory_space<vmem>>) dst(%dma_wait3A_83 : memref<640x16xf32, #tpu.memory_space<hbm>>)
      tpu.yield
    }) : () -> ()
    "tpu.region"() ({
      %run_scoped3A_72 = tpu.sem_alloc : memref<!tpu.dma_semaphore, #tpu.memory_space<semaphore_mem>>
      %dma_start3A_73 = arith.constant 0 : i32
      %dma_start3A_74 = tpu.memref_slice %arg34[%mul3A_4, %dma_start3A_73] : memref<10240x8xf32, #tpu.memory_space<vmem_shared>> -> memref<640x8xf32, #tpu.memory_space<vmem_shared>>
      %dma_start3A_75 = arith.constant 0 : i32
      %dma_start3A_76 = tpu.memref_slice %arg34[%mul3A_4, %dma_start3A_75] : memref<10240x8xf32, #tpu.memory_space<vmem_shared>> -> memref<640x8xf32, #tpu.memory_space<vmem_shared>>
      tpu.enqueue_dma source(%dma_start3A_76 : memref<640x8xf32, #tpu.memory_space<vmem_shared>>) target(%arg14 : memref<640x8xf32, #tpu.memory_space<vmem>>) target_semaphore(%run_scoped3A_72 : memref<!tpu.dma_semaphore, #tpu.memory_space<semaphore_mem>>)
      %dma_wait3A = arith.constant 0 : i32
      %dma_wait3A_77 = tpu.memref_slice %arg34[%mul3A_4, %dma_wait3A] : memref<10240x8xf32, #tpu.memory_space<vmem_shared>> -> memref<640x8xf32, #tpu.memory_space<vmem_shared>>
      %dma_wait3A_78 = arith.constant 0 : i32
      %dma_wait3A_79 = tpu.memref_slice %arg34[%mul3A_4, %dma_wait3A_78] : memref<10240x8xf32, #tpu.memory_space<vmem_shared>> -> memref<640x8xf32, #tpu.memory_space<vmem_shared>>
      tpu.wait_dma2 semaphore(%run_scoped3A_72 : memref<!tpu.dma_semaphore, #tpu.memory_space<semaphore_mem>>) src(%dma_wait3A_79 : memref<640x8xf32, #tpu.memory_space<vmem_shared>>) dst(%arg14 : memref<640x8xf32, #tpu.memory_space<vmem>>)
      tpu.yield
    }) : () -> ()
    "tpu.region"() ({
      %run_scoped3A_72 = tpu.sem_alloc : memref<!tpu.dma_semaphore, #tpu.memory_space<semaphore_mem>>
      %dma_start3A_73 = arith.constant 0 : i32
      %dma_start3A_74 = tpu.memref_slice %arg8[%arg0, %mul3A_4, %dma_start3A_73] : memref<2x10240x16xf32, #tpu.memory_space<hbm>> -> memref<1x640x8xf32, #tpu.memory_space<hbm>>
      %dma_start3A_75 = tpu.memref_squeeze %dma_start3A_74 : memref<1x640x8xf32, #tpu.memory_space<hbm>> -> memref<640x8xf32, #tpu.memory_space<hbm>>
      %dma_start3A_76 = arith.constant 0 : i32
      %dma_start3A_77 = tpu.memref_slice %arg8[%arg0, %mul3A_4, %dma_start3A_76] : memref<2x10240x16xf32, #tpu.memory_space<hbm>> -> memref<1x640x8xf32, #tpu.memory_space<hbm>>
      %dma_start3A_78 = tpu.memref_squeeze %dma_start3A_77 : memref<1x640x8xf32, #tpu.memory_space<hbm>> -> memref<640x8xf32, #tpu.memory_space<hbm>>
      tpu.enqueue_dma source(%arg14 : memref<640x8xf32, #tpu.memory_space<vmem>>) target(%dma_start3A_78 : memref<640x8xf32, #tpu.memory_space<hbm>>) target_semaphore(%run_scoped3A_72 : memref<!tpu.dma_semaphore, #tpu.memory_space<semaphore_mem>>)
      %dma_wait3A = arith.constant 0 : i32
      %dma_wait3A_79 = tpu.memref_slice %arg8[%arg0, %mul3A_4, %dma_wait3A] : memref<2x10240x16xf32, #tpu.memory_space<hbm>> -> memref<1x640x8xf32, #tpu.memory_space<hbm>>
      %dma_wait3A_80 = tpu.memref_squeeze %dma_wait3A_79 : memref<1x640x8xf32, #tpu.memory_space<hbm>> -> memref<640x8xf32, #tpu.memory_space<hbm>>
      %dma_wait3A_81 = arith.constant 0 : i32
      %dma_wait3A_82 = tpu.memref_slice %arg8[%arg0, %mul3A_4, %dma_wait3A_81] : memref<2x10240x16xf32, #tpu.memory_space<hbm>> -> memref<1x640x8xf32, #tpu.memory_space<hbm>>
      %dma_wait3A_83 = tpu.memref_squeeze %dma_wait3A_82 : memref<1x640x8xf32, #tpu.memory_space<hbm>> -> memref<640x8xf32, #tpu.memory_space<hbm>>
      tpu.wait_dma2 semaphore(%run_scoped3A_72 : memref<!tpu.dma_semaphore, #tpu.memory_space<semaphore_mem>>) src(%arg14 : memref<640x8xf32, #tpu.memory_space<vmem>>) dst(%dma_wait3A_83 : memref<640x8xf32, #tpu.memory_space<hbm>>)
      tpu.yield
    }) : () -> ()
    "tpu.region"() ({
      %run_scoped3A_72 = tpu.sem_alloc : memref<!tpu.dma_semaphore, #tpu.memory_space<semaphore_mem>>
      %dma_start3A_73 = arith.constant 8 : i32
      %dma_start3A_74 = tpu.memref_slice %arg8[%arg0, %mul3A_4, %dma_start3A_73] : memref<2x10240x16xf32, #tpu.memory_space<hbm>> -> memref<1x640x8xf32, #tpu.memory_space<hbm>>
      %dma_start3A_75 = tpu.memref_squeeze %dma_start3A_74 : memref<1x640x8xf32, #tpu.memory_space<hbm>> -> memref<640x8xf32, #tpu.memory_space<hbm>>
      %dma_start3A_76 = arith.constant 8 : i32
      %dma_start3A_77 = tpu.memref_slice %arg8[%arg0, %mul3A_4, %dma_start3A_76] : memref<2x10240x16xf32, #tpu.memory_space<hbm>> -> memref<1x640x8xf32, #tpu.memory_space<hbm>>
      %dma_start3A_78 = tpu.memref_squeeze %dma_start3A_77 : memref<1x640x8xf32, #tpu.memory_space<hbm>> -> memref<640x8xf32, #tpu.memory_space<hbm>>
      tpu.enqueue_dma source(%arg14 : memref<640x8xf32, #tpu.memory_space<vmem>>) target(%dma_start3A_78 : memref<640x8xf32, #tpu.memory_space<hbm>>) target_semaphore(%run_scoped3A_72 : memref<!tpu.dma_semaphore, #tpu.memory_space<semaphore_mem>>)
      %dma_wait3A = arith.constant 8 : i32
      %dma_wait3A_79 = tpu.memref_slice %arg8[%arg0, %mul3A_4, %dma_wait3A] : memref<2x10240x16xf32, #tpu.memory_space<hbm>> -> memref<1x640x8xf32, #tpu.memory_space<hbm>>
      %dma_wait3A_80 = tpu.memref_squeeze %dma_wait3A_79 : memref<1x640x8xf32, #tpu.memory_space<hbm>> -> memref<640x8xf32, #tpu.memory_space<hbm>>
      %dma_wait3A_81 = arith.constant 8 : i32
      %dma_wait3A_82 = tpu.memref_slice %arg8[%arg0, %mul3A_4, %dma_wait3A_81] : memref<2x10240x16xf32, #tpu.memory_space<hbm>> -> memref<1x640x8xf32, #tpu.memory_space<hbm>>
      %dma_wait3A_83 = tpu.memref_squeeze %dma_wait3A_82 : memref<1x640x8xf32, #tpu.memory_space<hbm>> -> memref<640x8xf32, #tpu.memory_space<hbm>>
      tpu.wait_dma2 semaphore(%run_scoped3A_72 : memref<!tpu.dma_semaphore, #tpu.memory_space<semaphore_mem>>) src(%arg14 : memref<640x8xf32, #tpu.memory_space<vmem>>) dst(%dma_wait3A_83 : memref<640x8xf32, #tpu.memory_space<hbm>>)
      tpu.yield
    }) : () -> ()
    return
  }
}

module attributes {stable_mosaic.version = 14 : i64} {
  func.func @_matmul_body(%arg0: memref<10000x128xf32, #tpu.memory_space<vmem>>, %arg1: memref<128x16xf32, #tpu.memory_space<vmem>>, %arg2: memref<10240x16xf32, #tpu.memory_space<vmem>>) attributes {dimension_semantics = [], scalar_prefetch = 0 : i64, scratch_operands = 0 : i64, tpu.core_type = #tpu.core_type<tc>} {
    %get3A = arith.constant 0 : index
    %get3A_0 = arith.constant 0 : index
    %get3A_1 = vector.load %arg0[%get3A, %get3A_0] : memref<10000x128xf32, #tpu.memory_space<vmem>>, vector<10000x128xf32>
    %get3A_2 = arith.constant 0 : index
    %get3A_3 = arith.constant 0 : index
    %get3A_4 = vector.load %arg1[%get3A_2, %get3A_3] : memref<128x16xf32, #tpu.memory_space<vmem>>, vector<128x16xf32>
    %dot_general3A = arith.constant dense<0.000000e+00> : vector<10000x16xf32>
    %dot_general3A_5 = tpu.matmul %get3A_1, %get3A_4, %dot_general3A {dimension_numbers = #tpu.dot_dimension_numbers<[1], [0], [0], [1], [0, 0, 1, 1], [], []>, transpose_lhs_hint = false} : vector<10000x128xf32>, vector<128x16xf32>, vector<10000x16xf32> -> vector<10000x16xf32>
    %swap3A = arith.constant 0 : index
    %swap3A_6 = arith.constant 0 : index
    %swap3A_7 = vector.load %arg2[%swap3A, %swap3A_6] : memref<10240x16xf32, #tpu.memory_space<vmem>>, vector<10000x16xf32>
    tpu.vector_store %arg2[%swap3A, %swap3A_6], %dot_general3A_5 {strides = array<i32>} : memref<10240x16xf32, #tpu.memory_space<vmem>>, vector<10000x16xf32>,
    %broadcast_in_dim3A = arith.constant 0.000000e+00 : f32
    %broadcast_in_dim3A_8 = vector.broadcast %broadcast_in_dim3A : f32 to vector<240x16xf32>
    %swap3A_9 = arith.constant 10000 : index
    %swap3A_10 = arith.constant 0 : index
    %swap3A_11 = vector.load %arg2[%swap3A_9, %swap3A_10] : memref<10240x16xf32, #tpu.memory_space<vmem>>, vector<240x16xf32>
    tpu.vector_store %arg2[%swap3A_9, %swap3A_10], %broadcast_in_dim3A_8 {strides = array<i32>} : memref<10240x16xf32, #tpu.memory_space<vmem>>, vector<240x16xf32>,
    return
  }
}

module attributes {stable_mosaic.version = 14 : i64} {
  func.func @_post_body(%arg0: memref<2x1280x128xf32, #tpu.memory_space<vmem>>, %arg1: memref<2x1280x128xf32, #tpu.memory_space<vmem>>, %arg2: memref<8x1280xf32, #tpu.memory_space<vmem>>, %arg3: memref<8x1280xf32, #tpu.memory_space<vmem>>, %arg4: memref<1x128xf32, #tpu.memory_space<vmem>>, %arg5: memref<128x64xf32, #tpu.memory_space<vmem>>, %arg6: memref<1x64xf32, #tpu.memory_space<vmem>>, %arg7: memref<64x8xf32, #tpu.memory_space<vmem>>, %arg8: memref<1x8xf32, #tpu.memory_space<vmem>>, %arg9: memref<8x1280xf32, #tpu.memory_space<vmem>>, %arg10: memref<1x1xf32, #tpu.memory_space<vmem>>) attributes {dimension_semantics = [], scalar_prefetch = 0 : i64, scratch_operands = 0 : i64, tpu.core_type = #tpu.core_type<tc>} {
    %get3A = arith.constant 0 : index
    %get3A_0 = arith.constant 0 : index
    %get3A_1 = arith.constant 0 : index
    %get3A_2 = vector.load %arg0[%get3A, %get3A_0, %get3A_1] : memref<2x1280x128xf32, #tpu.memory_space<vmem>>, vector<1x1280x128xf32>
    %get3A_3 = vector.shape_cast %get3A_2 : vector<1x1280x128xf32> to vector<1280x128xf32>
    %get3A_4 = arith.constant 1 : index
    %get3A_5 = arith.constant 0 : index
    %get3A_6 = arith.constant 0 : index
    %get3A_7 = vector.load %arg0[%get3A_4, %get3A_5, %get3A_6] : memref<2x1280x128xf32, #tpu.memory_space<vmem>>, vector<1x1280x128xf32>
    %get3A_8 = vector.shape_cast %get3A_7 : vector<1x1280x128xf32> to vector<1280x128xf32>
    %add3A = arith.addf %get3A_3, %get3A_8 : vector<1280x128xf32>
    %get3A_9 = arith.constant 0 : index
    %get3A_10 = arith.constant 0 : index
    %get3A_11 = arith.constant 0 : index
    %get3A_12 = vector.load %arg1[%get3A_9, %get3A_10, %get3A_11] : memref<2x1280x128xf32, #tpu.memory_space<vmem>>, vector<1x1280x128xf32>
    %get3A_13 = vector.shape_cast %get3A_12 : vector<1x1280x128xf32> to vector<1280x128xf32>
    %get3A_14 = arith.constant 1 : index
    %get3A_15 = arith.constant 0 : index
    %get3A_16 = arith.constant 0 : index
    %get3A_17 = vector.load %arg1[%get3A_14, %get3A_15, %get3A_16] : memref<2x1280x128xf32, #tpu.memory_space<vmem>>, vector<1x1280x128xf32>
    %get3A_18 = vector.shape_cast %get3A_17 : vector<1x1280x128xf32> to vector<1280x128xf32>
    %add3A_19 = arith.addf %get3A_13, %get3A_18 : vector<1280x128xf32>
    %add3A_20 = arith.constant 1.000000e+00 : f32
    %add3A_21 = vector.broadcast %add3A_20 : f32 to vector<1280x128xf32>
    %add3A_22 = arith.addf %add3A_19, %add3A_21 : vector<1280x128xf32>
    %div3A = arith.divf %add3A, %add3A_22 : vector<1280x128xf32>
    %get3A_23 = arith.constant 0 : index
    %get3A_24 = arith.constant 0 : index
    %get3A_25 = vector.load %arg4[%get3A_23, %get3A_24] : memref<1x128xf32, #tpu.memory_space<vmem>>, vector<1x128xf32>
    %add3A_26 = vector.broadcast %get3A_25 : vector<1x128xf32> to vector<1280x128xf32>
    %add3A_27 = arith.addf %div3A, %add3A_26 : vector<1280x128xf32>
    %max3A = arith.constant 0.000000e+00 : f32
    %max3A_28 = vector.broadcast %max3A : f32 to vector<1280x128xf32>
    %max3A_29 = arith.maximumf %add3A_27, %max3A_28 : vector<1280x128xf32>
    %get3A_30 = arith.constant 0 : index
    %get3A_31 = arith.constant 0 : index
    %get3A_32 = vector.load %arg5[%get3A_30, %get3A_31] : memref<128x64xf32, #tpu.memory_space<vmem>>, vector<128x64xf32>
    %dot_general3A = arith.constant dense<0.000000e+00> : vector<1280x64xf32>
    %dot_general3A_33 = tpu.matmul %max3A_29, %get3A_32, %dot_general3A {dimension_numbers = #tpu.dot_dimension_numbers<[1], [0], [0], [1], [0, 0, 1, 1], [], []>, transpose_lhs_hint = false} : vector<1280x128xf32>, vector<128x64xf32>, vector<1280x64xf32> -> vector<1280x64xf32>
    %get3A_34 = arith.constant 0 : index
    %get3A_35 = arith.constant 0 : index
    %get3A_36 = vector.load %arg6[%get3A_34, %get3A_35] : memref<1x64xf32, #tpu.memory_space<vmem>>, vector<1x64xf32>
    %add3A_37 = vector.broadcast %get3A_36 : vector<1x64xf32> to vector<1280x64xf32>
    %add3A_38 = arith.addf %dot_general3A_33, %add3A_37 : vector<1280x64xf32>
    %max3A_39 = arith.constant 0.000000e+00 : f32
    %max3A_40 = vector.broadcast %max3A_39 : f32 to vector<1280x64xf32>
    %max3A_41 = arith.maximumf %add3A_38, %max3A_40 : vector<1280x64xf32>
    %get3A_42 = arith.constant 0 : index
    %get3A_43 = arith.constant 0 : index
    %get3A_44 = vector.load %arg7[%get3A_42, %get3A_43] : memref<64x8xf32, #tpu.memory_space<vmem>>, vector<64x8xf32>
    %dot_general3A_45 = arith.constant dense<0.000000e+00> : vector<1280x8xf32>
    %dot_general3A_46 = tpu.matmul %max3A_41, %get3A_44, %dot_general3A_45 {dimension_numbers = #tpu.dot_dimension_numbers<[1], [0], [0], [1], [0, 0, 1, 1], [], []>, transpose_lhs_hint = false} : vector<1280x64xf32>, vector<64x8xf32>, vector<1280x8xf32> -> vector<1280x8xf32>
    %get3A_47 = arith.constant 0 : index
    %get3A_48 = arith.constant 0 : index
    %get3A_49 = vector.load %arg8[%get3A_47, %get3A_48] : memref<1x8xf32, #tpu.memory_space<vmem>>, vector<1x8xf32>
    %add3A_50 = vector.broadcast %get3A_49 : vector<1x8xf32> to vector<1280x8xf32>
    %add3A_51 = arith.addf %dot_general3A_46, %add3A_50 : vector<1280x8xf32>
    %transpose3A = tpu.transpose %add3A_51, [1, 0] : vector<1280x8xf32> -> vector<8x1280xf32>
    %logistic3A = arith.negf %transpose3A : vector<8x1280xf32>
    %logistic3A_52 = math.exp %logistic3A : vector<8x1280xf32>
    %logistic3A_53 = arith.constant 1.000000e+00 : f32
    %logistic3A_54 = vector.broadcast %logistic3A_53 : f32 to vector<8x1280xf32>
    %logistic3A_55 = arith.addf %logistic3A_54, %logistic3A_52 : vector<8x1280xf32>
    %logistic3A_56 = arith.divf %logistic3A_54, %logistic3A_55 : vector<8x1280xf32>
    %log3A = math.log %logistic3A_56 : vector<8x1280xf32>
    %jit3A = arith.constant -1.000000e+02 : f32
    %max3A_57 = vector.broadcast %jit3A : f32 to vector<8x1280xf32>
    %max3A_58 = arith.maximumf %max3A_57, %log3A : vector<8x1280xf32>
    %sub3A = arith.constant 1.000000e+00 : f32
    %sub3A_59 = vector.broadcast %sub3A : f32 to vector<8x1280xf32>
    %sub3A_60 = arith.subf %sub3A_59, %logistic3A_56 : vector<8x1280xf32>
    %log3A_61 = math.log %sub3A_60 : vector<8x1280xf32>
    %jit3A_62 = arith.constant -1.000000e+02 : f32
    %max3A_63 = vector.broadcast %jit3A_62 : f32 to vector<8x1280xf32>
    %max3A_64 = arith.maximumf %max3A_63, %log3A_61 : vector<8x1280xf32>
    %get3A_65 = arith.constant 0 : index
    %get3A_66 = arith.constant 0 : index
    %get3A_67 = vector.load %arg2[%get3A_65, %get3A_66] : memref<8x1280xf32, #tpu.memory_space<vmem>>, vector<8x1280xf32>
    %get3A_68 = arith.constant 0 : index
    %get3A_69 = arith.constant 0 : index
    %get3A_70 = vector.load %arg3[%get3A_68, %get3A_69] : memref<8x1280xf32, #tpu.memory_space<vmem>>, vector<8x1280xf32>
    %mul3A = arith.mulf %get3A_67, %max3A_58 : vector<8x1280xf32>
    %sub3A_71 = arith.constant 1.000000e+00 : f32
    %sub3A_72 = vector.broadcast %sub3A_71 : f32 to vector<8x1280xf32>
    %sub3A_73 = arith.subf %sub3A_72, %get3A_67 : vector<8x1280xf32>
    %mul3A_74 = arith.mulf %sub3A_73, %max3A_64 : vector<8x1280xf32>
    %add3A_75 = arith.addf %mul3A, %mul3A_74 : vector<8x1280xf32>
    %neg3A = arith.constant 0.000000e+00 : f32
    %neg3A_76 = vector.broadcast %neg3A : f32 to vector<8x1280xf32>
    %neg3A_77 = arith.subf %neg3A_76, %add3A_75 : vector<8x1280xf32>
    %mul3A_78 = arith.mulf %get3A_70, %neg3A_77 : vector<8x1280xf32>
    %iota3A = tpu.iota {dimensions = array<i32: 0>} : vector<8x1280xi32>
    %iota3A_79 = tpu.iota {dimensions = array<i32: 1>} : vector<8x1280xi32>
    %mul3A_80 = arith.constant 8 : i32
    %mul3A_81 = vector.broadcast %mul3A_80 : i32 to vector<8x1280xi32>
    %mul3A_82 = arith.muli %iota3A_79, %mul3A_81 : vector<8x1280xi32>
    %add3A_83 = arith.addi %mul3A_82, %iota3A : vector<8x1280xi32>
    %lt3A = arith.constant 10000 : i32
    %lt3A_84 = vector.broadcast %lt3A : i32 to vector<8x1280xi32>
    %lt3A_85 = arith.cmpi slt, %add3A_83, %lt3A_84 : vector<8x1280xi32>
    %jit3A_86 = arith.constant 0.000000e+00 : f32
    %broadcast_in_dim3A = vector.broadcast %jit3A_86 : f32 to vector<8x1280xf32>
    %select_n3A = arith.select %lt3A_85, %mul3A_78, %broadcast_in_dim3A : vector<8x1280xi1>, vector<8x1280xf32>
    %swap3A = arith.constant 0 : index
    %swap3A_87 = arith.constant 0 : index
    %swap3A_88 = vector.load %arg9[%swap3A, %swap3A_87] : memref<8x1280xf32, #tpu.memory_space<vmem>>, vector<8x1280xf32>
    tpu.vector_store %arg9[%swap3A, %swap3A_87], %logistic3A_56 {strides = array<i32>} : memref<8x1280xf32, #tpu.memory_space<vmem>>, vector<8x1280xf32>,
    %reduce_sum3A = vector.shape_cast %select_n3A : vector<8x1280xf32> to vector<1x8x1280xf32>
    %reduce_sum3A_89 = arith.constant dense<0.000000e+00> : vector<1xf32>
    %reduce_sum3A_90 = vector.multi_reduction <add>, %reduce_sum3A, %reduce_sum3A_89 [1, 2] : vector<1x8x1280xf32> to vector<1xf32>
    %reduce_sum3A_91 = vector.shape_cast %reduce_sum3A_90 : vector<1xf32> to vector<1x1x1xf32>
    %reduce_sum3A_92 = vector.extract %reduce_sum3A_91[0, 0, 0] : f32 from vector<1x1x1xf32>
    %div3A_93 = arith.constant 1.000000e+04 : f32
    %div3A_94 = arith.divf %reduce_sum3A_92, %div3A_93 : f32
    %reshape3A = vector.broadcast %div3A_94 : f32 to vector<1x1xf32>
    %swap3A_95 = arith.constant 0 : index
    %swap3A_96 = arith.constant 0 : index
    %swap3A_97 = vector.load %arg10[%swap3A_95, %swap3A_96] : memref<1x1xf32, #tpu.memory_space<vmem>>, vector<1x1xf32>
    tpu.vector_store %arg10[%swap3A_95, %swap3A_96], %reshape3A {strides = array<i32>} : memref<1x1xf32, #tpu.memory_space<vmem>>, vector<1x1xf32>,
    return
  }
}

</mosaic_0001>

<sc_bundles>
// kernel: kernel.5.cloned.1.call-start
scs
__scs_entry_jumppad:
0x0: {  	(pc) =	sbr.rel $0x88, $3  }
0x1: {  	(tag) =	ssettag $0x0;
	lr =	simm.s32 $0x1  }
0x2: {  	[smem:$0x3F97] =	sst lr;
	_ =	strace $0xD0000000  }
0x3: {  	_ = 	snop  }
0x4: {  	_ = 	snop  }
0x5: {  	_ = 	snop  }
0x6: {  	_ = 	snop  }
0x7: {  	_ = 	snop  }
__scs_overlays_trampoline_lowered:
0x8: {  	[smem:$0x3FA6] =	sst s0  }
0x9: {  	[smem:$0x3FA7] =	sst s1  }
0xa: {  	[smem:$0x3FA8] =	sst s2  }
0xb: {  	[smem:$0x3FA9] =	sst s3  }
0xc: {  	[smem:$0x3FAA] =	sst s4  }
0xd: {  	[smem:$0x3FAB] =	sst s5  }
0xe: {  	[smem:$0x3FAC] =	sst s6  }
0xf: {  	[smem:$0x3FAD] =	sst s7  }
0x10: {  	[smem:$0x3FAE] =	sst s8  }
0x11: {  	[smem:$0x3FAF] =	sst s9;
	s0 =	simm.s32 @!p0 $0x0  }
0x12: {  	s1 =	sld [smem:$0x3F95];
	s0 =	simm.s32 @p0 $0x1  }
0x13: {  	[smem:$0x3FB0] =	sst s0;
	s0 =	simm.s32 @!p1 $0x0  }
0x14: {  	s2 =	sld [smem:$0x3F94];
	s0 =	simm.s32 @p1 $0x1  }
0x15: {  	[smem:$0x3FB1] =	sst s0;
	s0 =	simm.s32 @!p2 $0x0  }
0x16: {  	s3 =	sld [smem:$0x3FDB];
	s0 =	simm.s32 @p2 $0x1  }
0x17: {  	s4 =	simm.s32 $0x1BF5;
	[smem:$0x3FB3] =	sst s0  }
0x18: {  	s0 =	sld [smem:$0x3F96];
	_ =	swait.ge [sflag:s4], $0x0  }
0x19: {  	s7 =	sld [smem:$0x3F97]  }
0x1a: {  	s8 =	sadd.s32 $0xFFFFE003, lr  }
0x1b: {  	s9 =	sadd.s32 $0xFFFFFEF7, lr;
	s5 =	simm.s32 $0xFFFFFFFF;
	p2 =	slt.u32 s8, $0xFFFFF086  }
0x1c: {  	p1 =	slt.u32 s9, $0xF7A;
	s5 =	simm.s32 @!p2 $0x0  }
0x1d: {  	s5 =	simm.s32 @p1 $0x1;
	p0 =	seq.s32 s7, s2  }
0x1e: {  	s7 =	smul.u32 @!p0 $0xF7A, s2;
	p2 =	seq.s32 @!p0 s5, $0x0  }
0x1f: {  	s9 =	smul.u32 $0xF7A, s1;
	s8 =	simm.s32 @!p0 $0x1BF5;
	p2 =	por !p2, p0  }
0x20: {  	[sflag:s8] =	ssyncset.s32 @!p0 $0xFFFFF086;
	s6 =	sadd.s32 @!p0 s3, s7;
	s7 =	simm.s32 @!p0 $0x108  }
0x21: {  	s3 =	sadd.s32 s3, s9;
	s6 =	sadd.s32 @!p0 $0x88, s6;
	s7 =	simm.s32 @p2 $0x1082  }
0x22: {  	[simem:s7], [sflag:s8] =	dma.local @!p0 [hbm:s6], $0xF7A  }
0x23: {  	s9 =	sor.u32 $0xD0000000, s2;
	s6 =	simm.s32 $0x108;
	_ =	swait.ge @!p0 [sflag:s8], $0x0  }
0x24: {  	s3 =	sadd.s32 $0x88, s3;
	s6 =	simm.s32 @!p1 $0x1082;
	[sflag:s4] =	ssyncset.s32 $0xFFFFF086  }
0x25: {  	[simem:s6], [sflag:s4] =	dma.local [hbm:s3], $0xF7A  }
0x26: {  	[smem:$0x3F97] =	sst s1;
	(tag) =	ssettag s2;
	_ =	strace s9  }
0x27: {  	s1 =	sld [smem:$0x3FA7]  }
0x28: {  	s2 =	sld [smem:$0x3FA8]  }
0x29: {  	s4 =	sld [smem:$0x3FAA]  }
0x2a: {  	p0 =	seq.s32 s5, $0x0;
	s5 =	sld [smem:$0x3FAB]  }
0x2b: {  	s6 =	sld [smem:$0x3FAC]  }
0x2c: {  	s7 =	sld [smem:$0x3FAD]  }
0x2d: {  	s3 =	simm.s32 $0x108;
	s8 =	sld [smem:$0x3FAE]  }
0x2e: {  	s3 =	simm.s32 @!p0 $0x1082;
	s9 =	sld [smem:$0x3FAF]  }
0x2f: {  	lr =	sadd.s32 s0, s3;
	s0 =	sld [smem:$0x3FA6]  }
0x30: {  	s3 =	sld [smem:$0x3FA9]  }
0x31: {  	[smem:$0x3FB2] =	sst s10  }
0x32: {  	s10 =	sld [smem:$0x3FB0];
	_ =	sdelay $0x3  }
0x33: {  	p0 =	seq.s32 s10, $0x1;
	s10 =	sld [smem:$0x3FB2];
	_ =	sdelay $0x3  }
0x34: {  	[smem:$0x3FB2] =	sst s10  }
0x35: {  	s10 =	sld [smem:$0x3FB1];
	_ =	sdelay $0x3  }
0x36: {  	p1 =	seq.s32 s10, $0x1;
	s10 =	sld [smem:$0x3FB2];
	_ =	sdelay $0x3  }
0x37: {  	[smem:$0x3FB2] =	sst s10  }
0x38: {  	s10 =	sld [smem:$0x3FB3]  }
0x39: {  	_ = 	snop;
	(pc) =	sbr.ind lr, $3  }
0x3a: {  	_ = 	snop  }
0x3b: {  	_ = 	snop  }
0x3c: {  	p2 =	seq.s32 s10, $0x1;
	s10 =	sld [smem:$0x3FB2]  }
0x3d: {  	_ =	shalt  }
0x3e: {  	_ =	shalt  }
0x3f: {  	_ =	shalt  }
0x40: {  	_ =	shalt  }
0x41: {  	_ =	shalt  }
0x42: {  	_ =	shalt  }
0x43: {  	_ =	shalt  }
0x44: {  	_ =	shalt  }
0x45: {  	_ =	shalt  }
0x46: {  	_ =	shalt  }
0x47: {  	_ =	shalt  }
0x48: {  	_ =	shalt  }
0x49: {  	_ =	shalt  }
0x4a: {  	_ =	shalt  }
0x4b: {  	_ =	shalt  }
0x4c: {  	_ =	shalt  }
0x4d: {  	_ =	shalt  }
0x4e: {  	_ =	shalt  }
0x4f: {  	_ =	shalt  }
0x50: {  	_ =	shalt  }
0x51: {  	_ =	shalt  }
0x52: {  	_ =	shalt  }
0x53: {  	_ =	shalt  }
0x54: {  	_ =	shalt  }
0x55: {  	_ =	shalt  }
0x56: {  	_ =	shalt  }
0x57: {  	_ =	shalt  }
0x58: {  	_ =	shalt  }
0x59: {  	_ =	shalt  }
0x5a: {  	_ =	shalt  }
0x5b: {  	_ =	shalt  }
0x5c: {  	_ =	shalt  }
0x5d: {  	_ =	shalt  }
0x5e: {  	_ =	shalt  }
0x5f: {  	_ =	shalt  }
0x60: {  	_ =	shalt  }
0x61: {  	_ =	shalt  }
0x62: {  	_ =	shalt  }
0x63: {  	_ =	shalt  }
0x64: {  	_ =	shalt  }
0x65: {  	_ =	shalt  }
0x66: {  	_ =	shalt  }
0x67: {  	_ =	shalt  }
0x68: {  	_ =	shalt  }
0x69: {  	_ =	shalt  }
0x6a: {  	_ =	shalt  }
0x6b: {  	_ =	shalt  }
0x6c: {  	_ =	shalt  }
0x6d: {  	_ =	shalt  }
0x6e: {  	_ =	shalt  }
0x6f: {  	_ =	shalt  }
0x70: {  	_ =	shalt  }
0x71: {  	_ =	shalt  }
0x72: {  	_ =	shalt  }
0x73: {  	_ =	shalt  }
0x74: {  	_ =	shalt  }
0x75: {  	_ =	shalt  }
0x76: {  	_ =	shalt  }
0x77: {  	_ =	shalt  }
0x78: {  	_ =	shalt  }
0x79: {  	_ =	shalt  }
0x7a: {  	_ =	shalt  }
0x7b: {  	_ =	shalt  }
0x7c: {  	_ =	shalt  }
0x7d: {  	_ =	shalt  }
0x7e: {  	_ =	shalt  }
0x7f: {  	_ =	shalt  }
0x80: {  	_ =	shalt  }
0x81: {  	_ =	shalt  }
0x82: {  	_ =	shalt  }
0x83: {  	_ =	shalt  }
0x84: {  	_ =	shalt  }
0x85: {  	_ =	shalt  }
0x86: {  	_ =	shalt  }
0x87: {  	_ =	shalt  }
.Lfunc_end0:
.L_simem_size_0:
called_computation_lowered:
.L_overlay_start_0:
0x88: {  	s2 =	sld [smem:$0x3FD9]  }
0x89: {  	s3 =	sld [smem:$0x3FFE];
	_ =	sdelay $0x1  }
0x8a: {  	s1 =	srdreg.scid  }
0x8b: {  	s0 =	sand.u32 $0x1, s1  }
0x8c: {  	s14 =	sshll.u32 s0, $0xA;
	s2 =	sadd.s32 s3, s2  }
0x8d: {  	s2 =	sadd.s32 s2, s14  }
0x8e: {  	[smem:$0x3FBE] =	sst s2  }
0x8f: {  	_ = 	snop  }
0x90: {  	s2 =	sld [smem:$0x3FD0];
	_ =	sdelay $0x2  }
0x91: {  	s15 =	simm.s32 $0xA;
	s4 =	simm.s32 $0x10  }
0x92: {  	[smem:s4], [sflag:s15] =	dma.local [hbm:s2], $0x1  }
0x93: {  	_ =	swait.eq [sflag:s15], $0x1  }
0x94: {  	[sflag:s15] =	ssyncset.done $0x0  }
0x95: {  	[sflag:s15] =	ssyncadd.s32 $0xFFFFFFFF  }
0x96: {  	s16 =	sld [smem:$0x11];
	(tm) =	ssettm $0x1  }
0x97: {  	s17 =	sld [smem:$0x3FFB];
	_ =	sdelay $0x3  }
0x98: {  	_ =	strace s17  }
0x99: {  	s3 =	sld [smem:$0x3FFC];
	_ =	sdelay $0x3  }
0x9a: {  	_ =	strace s3  }
0x9b: {  	s3 =	sld [smem:$0x3FFD];
	_ =	sdelay $0x3  }
0x9c: {  	_ =	strace s3  }
0x9d: {  	_ =	strace $0x8FFFFFFF  }
0x9e: {  	s18 =	sld [smem:$0x3FDB];
	_ =	sdelay $0x1  }
0x9f: {  	s19 =	simm.s32 $_scs_section_size  }
0xa0: {  	s5 =	simm.s32 $_size__tile_overlayer_lowered;
	s6 =	simm.s32 $_tile_overlayer_lowered  }
0xa1: {  	s22 =	simm.s32 $0x1BFF;
	s21 =	sshll.u32 s6, $0x1;
	s3 =	sadd.s32 s19, s18  }
0xa2: {  	s7 =	simm.s32 $0x0;
	s20 =	sshll.u32 s5, $0x1;
	s5 =	sadd.s32 s21, s3  }
0xa3: {  	[timem:s7], [sflag:s22] =	dma.local [hbm:s5], s20  }
0xa4: {  	_ =	swait.ge [sflag:s22], s20  }
0xa5: {  	s4 =	ssub.s32 $0x0, s20;
	[sflag:s22] =	ssyncset.done $0x0  }
0xa6: {  	[sflag:s22] =	ssyncadd.s32 s4;
	_ =	sdelay $0x1  }
0xa7: {  	s23 =	simm.s32 $0x1B8B  }
0xa8: {  	_ =	swait.ge [sflag:s23], $0x1  }
0xa9: {  	[sflag:s23] =	ssyncset.done $0x0  }
0xaa: {  	s25 =	simm.s32 $0x1B8E;
	s24 =	sld [smem:$0x3FFE];
	[sflag:s23] =	ssyncadd.s32 $0xFFFFFFFF  }
0xab: {  	s26 =	simm.s32 $execute0_lowered;
	[smem:$0x3FD2] =	sst s25  }
0xac: {  	s5 =	sshll.u32 s26, $0x1;
	_ =	strace $0x80000046;
	[dreg:$0x1] =	wrdreg $0xFFFFFFFF  }
0xad: {  	s28 =	simm.s32 $_size_execute0_lowered;
	s3 =	sadd.s32 s3, s5;
	[dreg:$0x0] =	wrdreg $0x0  }
0xae: {  	s5 =	sshll.u32 s28, $0x1;
	[dreg:$0x2] =	wrdreg s3  }
0xaf: {  	[dreg:$0x3] =	wrdreg s5  }
0xb0: {  	[dreg:$0x4] =	wrdreg $0xC0  }
0xb1: {  	_ =	task [dreg:s7], $0x5FFFF  }
0xb2: {  	[dreg:$0x1] =	wrdreg $0xFFFFFFFF  }
0xb3: {  	[dreg:$0x0] =	wrdreg $0x60  }
0xb4: {  	[dreg:$0x2] =	wrdreg s24  }
0xb5: {  	[dreg:$0x3] =	wrdreg s16  }
0xb6: {  	[dreg:$0x4] =	wrdreg $0x11E800  }
0xb7: {  	[dreg:$0x5] =	wrdreg $0x146800  }
0xb8: {  	[dreg:$0x6] =	wrdreg $0x9  }
0xb9: {  	_ =	task.clear_ibuf [dreg:s7], $0x7FFFF;
	_ =	strace $0x90000046  }
0xba: {  	s29 =	simm.s32 $0x9;
	_ =	strace $0x80000048  }
0xbb: {  	_ =	swait.ge [sflag:s29], $0x1  }
0xbc: {  	[sflag:s29] =	ssyncadd.s32 $0xFFFFFFFF  }
0xbd: {  	_ =	strace $0x90000048  }
0xbe: {  	_ =	sfence  }
0xbf: {  	s30 =	sld [smem:$0x0];
	_ =	sdelay $0x2  }
0xc0: {  	s31 =	sshll.u32 s1, $0xD;
	s1 =	sshrl.u32 s1, $0x2  }
0xc1: {  	s3 =	sand.u32 $0x4000, s31;
	s1 =	sadd.s32 s1, s30  }
0xc2: {  	s0 =	sor.u32 s3, s0;
	s1 =	sshll.u32 s1, $0x11  }
0xc3: {  	s0 =	sor.u32 s1, s0  }
0xc4: {  	s0 =	sadd.s32 $0x8F2B, s0  }
0xc5: {  	[sflag:s0] =	ssyncadd.remote.s32 $0x1  }
0xc6: {  	_ =	sfence.sel $0xFFFF  }
0xc7: {  	[dreg:$0x0] =	wrdreg $0xFFFFFFFF;
	(pc) =	sbr.abs _section_cstart, $3  }
0xc8: {  	[dreg:$0x1] =	wrdreg $0xFFFFFFFF  }
0xc9: {  	_ =	task.clear_ibuf [dreg:s7], $0x2FFFF;
	_ =	strace $0x9FFFFFFF  }
0xca: {  	(tm) =	ssettm $0x7FFFFFFF  }
0xcb: {  	_ =	shalt  }
tec
execute0_lowered:
.L_overlay_start_1:
0x0: {  	(tag) =	ssettag $0x1  }
0x1: {  	s0 =	srdreg.scid;
	s1 =	rddreg [dreg:$0x0]  }
0x2: {  	s12 =	stileid.u32;
	s3 =	rddreg [dreg:$0x2]  }
0x3: {  	s4 =	rddreg [dreg:$0x3];
	s5 =	simm.s32 $0x0;
	s29 =	simm.s32 $0xEE80  }
0x4: {  	s28 =	simm.s32 $0x10E80;
	s31 =	simm.s32 $0x3;
	s30 =	simm.s32 $0x0  }
0x5: {  	s0 =	sand.u32 $0x1, s0;
	s7 =	smul.u32 $0x2800, s12;
	[smem:$0x7FF] =	sst s5  }
0x6: {  	s10 =	sadd.s32 $0x1A400, s1;
	s11 =	sadd.s32 $0x19E00, s1;
	s19 =	smul.u32 $0x5000, s12  }
0x7: {  	s2 =	sshll.u32 s0, $0x4;
	_ =	strace $0x80000047;
	[dreg:$0x5] =	wrdreg s10  }
0x8: {  	s9 =	smul.u32 $0x28000, s0;
	s16 =	ssub.s32 $0x2, s0;
	[dreg:$0x6] =	wrdreg s11  }
0x9: {  	s10 =	simm.s32 $0x7A80;
	p1 =	sne.s32 s0, $0x0;
	s0 =	simm.s32 $0xFE80  }
0xa: {  	s2 =	sor.u32 s12, s2;
	s17 =	sshrl.u32 s16, $0x1;
	s11 =	sadd.s32 s7, s3  }
0xb: {  	s22 =	sshrl.u32 s19, $0x2;
	s19 =	simm.s32 $0x9;
	s6 =	smul.u32 $0x2780, s2  }
0xc: {  	p0 =	sne.s32 s2, $0x1F;
	s9 =	sadd.s32 s7, s9;
	s18 =	ssub.s32 s16, s17  }
0xd: {  	s13 =	sadd.s32 $0x2710, s2;
	s7 =	sshrl.u32 s7, $0x3;
	s2 =	simm.s32 $0x5  }
0xe: {  	s9 =	sshrl.u32 s9, $0x3;
	s26 =	smax.u32 s18, $0x1;
	s6 =	simm.s32 @!p0 $0x4BA80  }
0xf: {  	s18 =	simm.s32 $0xA;
	s8 =	sshrl.u32 s6, $0x3;
	s6 =	sadd.s32 $0x1400, s1  }
0x10: {  	[dreg:$0xe] =	wrdreg s26;
	s8 =	sadd.s32 s8, s1;
	s23 =	sadd.s32 s6, s7  }
0x11: {  	s1 =	sadd.s32 s9, s1;
	s20 =	sadd.s32 $0x6400, s8;
	[dreg:$0xa] =	wrdreg s23  }
0x12: {  	s21 =	sadd.s32 $0x10040, s8;
	s8 =	sadd.s32 s22, s4;
	[dreg:$0x7] =	wrdreg s20  }
.Ltmp0:
0x13: {  	s24 =	sadd.s32 $0x1A600, s1;
	[dreg:$0x8] =	wrdreg s21;
	(pc) =	sbr.rel .LBB2_1-.Ltmp0, $4  }
0x14: {  	s25 =	sadd.s32 $0x24600, s1;
	s1 =	sadd.s32 $0x24601, s1;
	[dreg:$0xb] =	wrdreg s24  }
0x15: {  	s22 =	simm.s32 $0xA280;
	s23 =	simm.s32 $0x1;
	[dreg:$0xc] =	wrdreg s25  }
0x16: {  	[dreg:$0xd] =	wrdreg s1;
	s20 =	simm.s32 $0x7680;
	s24 =	simm.s32 $0x80  }
0x17: {  	v0 =	vmov s13;
	s25 =	simm.s32 $0xDE80;
	s1 =	simm.s32 $0x7;
	[dreg:$0x9] =	wrdreg s8  }
.LBB2_10:
0x18: {  	v2 =	vld [tilespmem:s7+$0x7A80];
	_ =	sdelay $0x4  }
0x19: {  	v1 =	vadd.f32 v1, v2;
	_ =	sdelay $0x1  }
0x1a: {  	[tilespmem:s7+$0x7A80] =	vst v1  }
.LBB2_11:
0x1b: {  	s7 =	rddreg [dreg:$0xb]  }
0x1c: {  	[hbm4b:s7+s5] =	stream.linear.scatter [tilespmem:s10], [sflag:$0xA], $0x2800, $0x38;
	[tilespmem:$0x15A80] =	vst v63  }
0x1d: {  	_ =	swait.ge [sflag:s18], $0x2800  }
0x1e: {  	[sflag:s18] =	ssyncset.done $0x0  }
0x1f: {  	s8 =	rddreg [dreg:$0x9];
	[sflag:s18] =	ssyncadd.s32 $0xFFFFD800  }
0x20: {  	[tilespmem:s22], [sflag:$0xA] =	stream.linear.gather [spmem:s8], $0x1400, $0x38;
	[tilespmem:$0x15A80] =	vst v63  }
0x21: {  	_ =	swait.ge [sflag:s18], $0x1400  }
0x22: {  	s9 =	simm.s32 $0x8;
	[sflag:s18] =	ssyncset.done $0x0  }
0x23: {  	s12 =	simm.s32 $0x10;
	s17 =	rddreg [dreg:$0xc];
	[sflag:s18] =	ssyncadd.s32 $0xFFFFEC00  }
0x24: {  	[hbm4b:s17+s9] =	stream.strided.scatter [tilespmem:s22], [sflag:$0xA], $0x1400, s12, s9, $0x38;
	[tilespmem:$0x15A80] =	vst v63  }
0x25: {  	_ =	swait.ge [sflag:s18], $0x1400  }
0x26: {  	[sflag:s18] =	ssyncset.done $0x0  }
0x27: {  	s21 =	rddreg [dreg:$0xd];
	[sflag:s18] =	ssyncadd.s32 $0xFFFFEC00  }
0x28: {  	[hbm4b:s21+s9] =	stream.strided.scatter [tilespmem:s22], [sflag:$0xA], $0x1400, s12, s9, $0x38;
	[tilespmem:$0x15A80] =	vst v63  }
0x29: {  	_ =	swait.ge [sflag:s18], $0x1400  }
0x2a: {  	s30 =	sadd.s32 $0x1, s30;
	s26 =	rddreg [dreg:$0xe]  }
0x2b: {  	p2 =	sne.s32 s30, s26  }
.Ltmp1:
0x2c: {  	_ = 	snop;
	(pc) =	sbr.rel @!p2 .LBB2_12-.Ltmp1, $3  }
0x2d: {  	_ =	sdelay $0x1  }
0x2e: {  	[sflag:s18] =	ssyncset.done $0x0  }
0x2f: {  	[sflag:s18] =	ssyncadd.s32 $0xFFFFEC00  }
.LBB2_1:
0x30: {  	s7 =	rddreg [dreg:$0x7]  }
0x31: {  	[tilespmem:s5], [sflag:$0xA] =	stream.linear.gather [hbm4b:s7+s5], $0x2780, $0x38;
	[tilespmem:$0x15A80] =	vst v63  }
0x32: {  	_ =	swait.ge [sflag:s18], $0x2780  }
0x33: {  	[sflag:s18] =	ssyncset.done $0x0  }
0x34: {  	s9 =	simm.s32 $0x2780;
	s16 =	rddreg [dreg:$0x8];
	[sflag:s18] =	ssyncadd.s32 $0xFFFFD880  }
0x35: {  	[tilespmem:s9], [sflag:$0xA] =	stream.linear.gather [hbm4b:s16+s5], $0x2780, $0x38;
	[tilespmem:$0x15A80] =	vst v63  }
0x36: {  	_ =	swait.ge [sflag:s18], $0x2780  }
0x37: {  	[sflag:s18] =	ssyncset.done $0x0  }
0x38: {  	s17 =	rddreg [dreg:$0x5];
	[sflag:s18] =	ssyncadd.s32 $0xFFFFD880  }
0x39: {  	[tilespmem:s20], [sflag:$0xA] =	stream.linear.gather [hbm4b:s17+s5], $0x400, $0x38;
	[tilespmem:$0x15A80] =	vst v63  }
0x3a: {  	_ =	swait.ge [sflag:s18], $0x400  }
0x3b: {  	[sflag:s18] =	ssyncset.done $0x0  }
0x3c: {  	s21 =	rddreg [dreg:$0x6];
	[sflag:s18] =	ssyncadd.s32 $0xFFFFFC00  }
0x3d: {  	[tilespmem:s10], [sflag:$0xA] =	stream.linear.gather [hbm4b:s21+s5], $0x2800, $0x38;
	[tilespmem:$0x15A80] =	vst v63  }
0x3e: {  	_ =	swait.ge [sflag:s18], $0x2800  }
0x3f: {  	[sflag:s18] =	ssyncset.done $0x0  }
0x40: {  	[sflag:s18] =	ssyncadd.s32 $0xFFFFD800  }
0x41: {  	s26 =	rddreg [dreg:$0x1]  }
0x42: {  	[tilespmem:s22], [sflag:$0xA] =	stream.linear.gather [hbm4b:s26+s5], $0x1400, $0x38;
	[tilespmem:$0x15A80] =	vst v63  }
0x43: {  	_ =	swait.ge [sflag:s18], $0x1400  }
0x44: {  	[sflag:s18] =	ssyncset.done $0x0  }
0x45: {  	[sflag:s18] =	ssyncadd.s32 $0xFFFFEC00  }
0x46: {  	[spmem:s11] =	stream.linear.scatter [tilespmem:s10], [sflag:$0xA], $0x2800, $0x38;
	[tilespmem:$0x15A80] =	vst v63  }
0x47: {  	_ =	swait.ge [sflag:s18], $0x2800  }
0x48: {  	[sflag:s18] =	ssyncset.done $0x0  }
0x49: {  	[sflag:s18] =	ssyncadd.s32 $0xFFFFD800  }
0x4a: {  	[spmem:s8] =	stream.linear.scatter [tilespmem:s22], [sflag:$0xA], $0x1400, $0x38;
	[tilespmem:$0x15A80] =	vst v63  }
0x4b: {  	_ =	swait.ge [sflag:s18], $0x1400  }
0x4c: {  	[sflag:s18] =	ssyncset.done $0x0  }
0x4d: {  	s7 =	simm.s32 $0x27C0;
	[sflag:s18] =	ssyncadd.s32 $0xFFFFEC00  }
0x4e: {  	v1 =	vld [tilespmem:s7+$0xFFFFFFC0]  }
0x4f: {  	s8 =	simm.s32 $0x40  }
0x50: {  	p2 =	por $0x0, $0x0;
	v2 =	vld [tilespmem:s8+$0xFFFFFFC0]  }
0x51: {  	p2 =	por p0, p2;
	s10 =	simm.s32 $0x1  }
0x52: {  	s10 =	simm.s32 @!p2 $0x0  }
0x53: {  	s13 =	simm.s32 $0x0;
	v3 =	vmul.u32 s10, v1  }
0x54: {  	s13 =	simm.s32 @!p2 $0x272F  }
0x55: {  	vm0 =	veq.s32 v2, v1;
	v3 =	vadd.s32 s13, v3  }
0x56: {  	s9 =	simm.s32 $0x4F40;
	v1 =	vsel vm0, v0, v3  }
0x57: {  	[tilespmem:s9+$0xFFFFFFC0] =	vst v1  }
0x58: {  	v1 =	vld [tilespmem:s7+$0xFFFFFFD0];
	_ =	sdelay $0x1  }
0x59: {  	v2 =	vld [tilespmem:s8+$0xFFFFFFD0];
	_ =	sdelay $0x2  }
0x5a: {  	v3 =	vmul.u32 s10, v1;
	_ =	sdelay $0x1  }
0x5b: {  	vm9 =	veq.s32 v2, v1;
	v3 =	vadd.s32 s13, v3  }
0x5c: {  	v1 =	vsel vm9, v0, v3  }
0x5d: {  	[tilespmem:s9+$0xFFFFFFD0] =	vst v1  }
0x5e: {  	v1 =	vld [tilespmem:s7+$0xFFFFFFE0];
	_ =	sdelay $0x1  }
0x5f: {  	v2 =	vld [tilespmem:s8+$0xFFFFFFE0];
	_ =	sdelay $0x2  }
0x60: {  	v3 =	vmul.u32 s10, v1;
	_ =	sdelay $0x1  }
0x61: {  	vm10 =	veq.s32 v2, v1;
	v3 =	vadd.s32 s13, v3  }
0x62: {  	v1 =	vsel vm10, v0, v3  }
0x63: {  	[tilespmem:s9+$0xFFFFFFE0] =	vst v1  }
0x64: {  	v1 =	vld [tilespmem:s7+$0xFFFFFFF0];
	_ =	sdelay $0x1  }
0x65: {  	v2 =	vld [tilespmem:s8+$0xFFFFFFF0];
	_ =	sdelay $0x2  }
0x66: {  	v3 =	vmul.u32 s10, v1;
	_ =	sdelay $0x1  }
0x67: {  	vm11 =	veq.s32 v2, v1;
	v3 =	vadd.s32 s13, v3  }
0x68: {  	v1 =	vsel vm11, v0, v3  }
0x69: {  	[tilespmem:s9+$0xFFFFFFF0] =	vst v1  }
0x6a: {  	v1 =	vld [tilespmem:s7+$0x0];
	_ =	sdelay $0x1  }
0x6b: {  	v2 =	vld [tilespmem:s8+$0x0];
	_ =	sdelay $0x2  }
0x6c: {  	v3 =	vmul.u32 s10, v1;
	_ =	sdelay $0x1  }
0x6d: {  	vm12 =	veq.s32 v2, v1;
	v3 =	vadd.s32 s13, v3  }
0x6e: {  	v1 =	vsel vm12, v0, v3  }
0x6f: {  	[tilespmem:s9+$0x0] =	vst v1  }
0x70: {  	v1 =	vld [tilespmem:s7+$0x10];
	_ =	sdelay $0x1  }
0x71: {  	v2 =	vld [tilespmem:s8+$0x10];
	_ =	sdelay $0x2  }
0x72: {  	v3 =	vmul.u32 s10, v1;
	_ =	sdelay $0x1  }
0x73: {  	vm13 =	veq.s32 v2, v1;
	v1 =	vadd.s32 s13, v3  }
0x74: {  	v1 =	vsel vm13, v0, v1  }
0x75: {  	[tilespmem:s9+$0x10] =	vst v1  }
0x76: {  	v1 =	vld [tilespmem:s7+$0x20];
	_ =	sdelay $0x1  }
0x77: {  	v2 =	vld [tilespmem:s8+$0x20];
	_ =	sdelay $0x2  }
0x78: {  	v3 =	vmul.u32 s10, v1;
	_ =	sdelay $0x1  }
0x79: {  	vm14 =	veq.s32 v2, v1;
	v1 =	vadd.s32 s13, v3  }
0x7a: {  	v1 =	vsel vm14, v0, v1  }
0x7b: {  	[tilespmem:s9+$0x20] =	vst v1  }
0x7c: {  	v1 =	vld [tilespmem:s7+$0x30];
	_ =	sdelay $0x1  }
0x7d: {  	v2 =	vld [tilespmem:s8+$0x30];
	_ =	sdelay $0x2  }
0x7e: {  	v3 =	vmul.u32 s10, v1;
	_ =	sdelay $0x1  }
0x7f: {  	vm15 =	veq.s32 v2, v1;
	v1 =	vadd.s32 s13, v3  }
0x80: {  	s21 =	smov.u32 s11;
	s10 =	simm.s32 $0x1;
	v1 =	vsel vm15, v0, v1  }
.LBB2_2:
0x81: {  	[tilespmem:s9+$0x30] =	vst v1;
	s7 =	sadd.s32 $0x80, s7;
	s9 =	sadd.s32 $0x80, s9;
	s8 =	sadd.s32 $0x80, s8  }
0x82: {  	p2 =	sne.s32 s10, $0x4E;
	s13 =	smov.u32 s10;
	s10 =	sadd.s32 $0x1, s10;
	v1 =	vld [tilespmem:s7+$0xFFFFFFC0]  }
0x83: {  	_ = 	snop  }
0x84: {  	p3 =	sgt.u32 s13, $0x1B;
	v2 =	vld [tilespmem:s8+$0xFFFFFFC0]  }
0x85: {  	s14 =	simm.s32 $0x1;
	p3 =	por p0, p3  }
0x86: {  	s14 =	simm.s32 @!p3 $0x0  }
0x87: {  	s15 =	simm.s32 $0x0;
	v3 =	vmul.u32 s14, v1  }
0x88: {  	s15 =	simm.s32 @!p3 $0x272F  }
0x89: {  	v3 =	vadd.s32 s15, v3;
	vm0 =	veq.s32 v2, v1  }
0x8a: {  	v1 =	vsel vm0, v0, v3  }
0x8b: {  	[tilespmem:s9+$0xFFFFFFC0] =	vst v1  }
0x8c: {  	v1 =	vld [tilespmem:s7+$0xFFFFFFD0];
	_ =	sdelay $0x1  }
0x8d: {  	v2 =	vld [tilespmem:s8+$0xFFFFFFD0];
	_ =	sdelay $0x2  }
0x8e: {  	v3 =	vmul.u32 s14, v1;
	_ =	sdelay $0x1  }
0x8f: {  	v3 =	vadd.s32 s15, v3;
	vm0 =	veq.s32 v2, v1  }
0x90: {  	v1 =	vsel vm0, v0, v3  }
0x91: {  	[tilespmem:s9+$0xFFFFFFD0] =	vst v1  }
0x92: {  	v1 =	vld [tilespmem:s7+$0xFFFFFFE0];
	_ =	sdelay $0x1  }
0x93: {  	v2 =	vld [tilespmem:s8+$0xFFFFFFE0];
	_ =	sdelay $0x2  }
0x94: {  	v3 =	vmul.u32 s14, v1;
	_ =	sdelay $0x1  }
0x95: {  	v3 =	vadd.s32 s15, v3;
	vm0 =	veq.s32 v2, v1  }
0x96: {  	v1 =	vsel vm0, v0, v3  }
0x97: {  	[tilespmem:s9+$0xFFFFFFE0] =	vst v1  }
0x98: {  	v1 =	vld [tilespmem:s7+$0xFFFFFFF0];
	_ =	sdelay $0x1  }
0x99: {  	v2 =	vld [tilespmem:s8+$0xFFFFFFF0];
	_ =	sdelay $0x2  }
0x9a: {  	v3 =	vmul.u32 s14, v1;
	_ =	sdelay $0x1  }
0x9b: {  	v3 =	vadd.s32 s15, v3;
	vm0 =	veq.s32 v2, v1  }
0x9c: {  	v1 =	vsel vm0, v0, v3  }
0x9d: {  	[tilespmem:s9+$0xFFFFFFF0] =	vst v1  }
0x9e: {  	v1 =	vld [tilespmem:s7+$0x0];
	_ =	sdelay $0x1  }
0x9f: {  	v2 =	vld [tilespmem:s8+$0x0];
	_ =	sdelay $0x2  }
0xa0: {  	v3 =	vmul.u32 s14, v1;
	_ =	sdelay $0x1  }
0xa1: {  	v3 =	vadd.s32 s15, v3;
	vm0 =	veq.s32 v2, v1  }
0xa2: {  	v1 =	vsel vm0, v0, v3  }
0xa3: {  	[tilespmem:s9+$0x0] =	vst v1  }
0xa4: {  	v1 =	vld [tilespmem:s7+$0x10]  }
0xa5: {  	v2 =	vld [tilespmem:s8+$0x10];
	_ =	sdelay $0x3  }
0xa6: {  	v3 =	vmul.u32 s14, v1  }
0xa7: {  	vm0 =	veq.s32 v2, v1  }
0xa8: {  	v1 =	vadd.s32 s15, v3  }
0xa9: {  	v1 =	vsel vm0, v0, v1  }
0xaa: {  	[tilespmem:s9+$0x10] =	vst v1  }
0xab: {  	v1 =	vld [tilespmem:s7+$0x20]  }
0xac: {  	v2 =	vld [tilespmem:s8+$0x20];
	_ =	sdelay $0x3  }
0xad: {  	v3 =	vmul.u32 s14, v1  }
0xae: {  	vm0 =	veq.s32 v2, v1  }
0xaf: {  	v1 =	vadd.s32 s15, v3  }
0xb0: {  	v1 =	vsel vm0, v0, v1  }
0xb1: {  	[tilespmem:s9+$0x20] =	vst v1  }
0xb2: {  	v1 =	vld [tilespmem:s7+$0x30]  }
0xb3: {  	v2 =	vld [tilespmem:s8+$0x30];
	_ =	sdelay $0x2  }
.Ltmp2:
0xb4: {  	(pc) =	sbr.rel @p2 .LBB2_2-.Ltmp2, $4  }
0xb5: {  	v3 =	vmul.u32 s14, v1  }
0xb6: {  	vm0 =	veq.s32 v2, v1  }
0xb7: {  	v1 =	vadd.s32 s15, v3  }
0xb8: {  	v1 =	vsel vm0, v0, v1  }
0xb9: {  	[tilespmem:s9+$0x30] =	vst v1  }
0xba: {  	s7 =	simm.s32 $0x0;
	[bflag:$0x0] =	sbarrier.arrive $0xFFFF  }
0xbb: {  	[tilespmem:s25], [sflag:$0x1] =	stream.indirect.gather [hbm4b:s6+s24], $0x10, s7, s24, $0xb8;
	[tilespmem:$0x15A80] =	vst v63  }
0xbc: {  	s8 =	simm.s32 $0xE680  }
0xbd: {  	[tilespmem:s8], [sflag:$0x2] =	stream.indirect.gather [hbm4b:s6+s24], $0x10, s24, s24, $0xb8;
	[tilespmem:$0x15A80] =	vst v63  }
0xbe: {  	s10 =	simm.s32 $0x100  }
0xbf: {  	[tilespmem:s29], [sflag:$0x3] =	stream.indirect.gather [hbm4b:s6+s24], $0x10, s10, s24, $0xb8;
	[tilespmem:$0x15A80] =	vst v63  }
0xc0: {  	s11 =	simm.s32 $0x180;
	s12 =	simm.s32 $0xF680  }
0xc1: {  	[tilespmem:s12], [sflag:$0x4] =	stream.indirect.gather [hbm4b:s6+s24], $0x10, s11, s24, $0xb8;
	[tilespmem:$0x15A80] =	vst v63  }
0xc2: {  	s13 =	simm.s32 $0x200  }
0xc3: {  	[tilespmem:s0], [sflag:$0x5] =	stream.indirect.gather [hbm4b:s6+s24], $0x10, s13, s24, $0xb8;
	[tilespmem:$0x15A80] =	vst v63  }
0xc4: {  	s14 =	simm.s32 $0x280;
	s15 =	simm.s32 $0x10680  }
0xc5: {  	[tilespmem:s15], [sflag:$0x6] =	stream.indirect.gather [hbm4b:s6+s24], $0x10, s14, s24, $0xb8;
	[tilespmem:$0x15A80] =	vst v63  }
0xc6: {  	s16 =	simm.s32 $0x300;
	s17 =	simm.s32 $0x380  }
0xc7: {  	[tilespmem:s28], [sflag:$0x7] =	stream.indirect.gather [hbm4b:s6+s24], $0x10, s16, s24, $0xb8;
	[tilespmem:$0x15A80] =	vst v63  }
0xc8: {  	s26 =	simm.s32 $0x11680;
	s9 =	simm.s32 $0x0;
	s8 =	simm.s32 $0x7  }
0xc9: {  	[tilespmem:s26], [sflag:$0x8] =	stream.indirect.gather [hbm4b:s6+s24], $0x10, s17, s24, $0xb8;
	[tilespmem:$0x15A80] =	vst v63  }
.LBB2_4:
0xca: {  	_ =	swait.ge [sflag:s23], $0x800  }
0xcb: {  	s10 =	sshra.s32 s7, $0x2;
	[sflag:s23] =	ssyncset.done $0x0  }
0xcc: {  	s10 =	sadd.s32 $0x4F00, s10;
	[sflag:s23] =	ssyncadd.s32 $0xFFFFF800  }
0xcd: {  	[spmem:s3] =	stream.indirect.scatter.add.f32 [tilespmem:s25], [sflag:$0xA], $0x10, s10, s24, $0xb8;
	[tilespmem:$0x15A80] =	vst v63  }
0xce: {  	_ =	swait.ge [sflag:s18], $0x800  }
0xcf: {  	[sflag:s18] =	ssyncset.done $0x0  }
0xd0: {  	p2 =	seq.s32 s7, $0x9000;
	[sflag:s18] =	ssyncadd.s32 $0xFFFFF800  }
0xd1: {  	[spmem:s4] =	stream.indirect.scatter.add.f32 [tilespmem:s20], [sflag:$0x9], $0x8, s10, s24, $0xb8;
	[tilespmem:$0x15A80] =	vst v63  }
0xd2: {  	s10 =	simm.s32 @p2 $0x2  }
0xd3: {  	_ =	swait.ge @p2 [sflag:s10], $0x800  }
0xd4: {  	s15 =	simm.s32 @p2 $0x80;
	s13 =	simm.s32 @p2 $0xE680;
	[sflag:s10] =	ssyncset.done @p2 $0x0  }
0xd5: {  	s16 =	simm.s32 @p2 $0xA;
	[sflag:s10] =	ssyncadd.s32 @p2 $0xFFFFF800;
	s10 =	simm.s32 @p2 $0x7380  }
0xd6: {  	[spmem:s3] =	stream.indirect.scatter.add.f32 @p2 [tilespmem:s13], [sflag:$0xA], $0x10, s10, s15, $0xb8;
	[tilespmem:$0x15A80] =	vst v63  }
0xd7: {  	_ =	swait.ge @p2 [sflag:s16], $0x800  }
0xd8: {  	[sflag:s16] =	ssyncset.done @p2 $0x0  }
0xd9: {  	s17 =	simm.s32 @p2 $0x7680;
	[sflag:s16] =	ssyncadd.s32 @p2 $0xFFFFF800  }
0xda: {  	[spmem:s4] =	stream.indirect.scatter.add.f32 @p2 [tilespmem:s17], [sflag:$0x9], $0x8, s10, s15, $0xb8;
	[tilespmem:$0x15A80] =	vst v63  }
0xdb: {  	s10 =	sshra.s32 @!p2 s7, $0x2  }
0xdc: {  	s14 =	simm.s32 @!p2 $0x80;
	s26 =	simm.s32 @!p2 $0xDE80;
	s13 =	sadd.s32 @!p2 $0x400, s10  }
0xdd: {  	[tilespmem:s26], [sflag:$0x1] =	stream.indirect.gather @!p2 [hbm4b:s6+s14], $0x10, s13, s14, $0xb8;
	[tilespmem:$0x15A80] =	vst v63  }
0xde: {  	s13 =	simm.s32 @!p2 $0x2  }
0xdf: {  	_ =	swait.ge @!p2 [sflag:s13], $0x800  }
0xe0: {  	s12 =	simm.s32 @!p2 $0xE680;
	[sflag:s13] =	ssyncset.done @!p2 $0x0  }
0xe1: {  	s11 =	sadd.s32 @!p2 $0x4F80, s10;
	s26 =	simm.s32 @!p2 $0xA;
	[sflag:s13] =	ssyncadd.s32 @!p2 $0xFFFFF800  }
0xe2: {  	[spmem:s3] =	stream.indirect.scatter.add.f32 @!p2 [tilespmem:s12], [sflag:$0xA], $0x10, s11, s14, $0xb8;
	[tilespmem:$0x15A80] =	vst v63  }
0xe3: {  	_ =	swait.ge @!p2 [sflag:s26], $0x800  }
0xe4: {  	[sflag:s26] =	ssyncset.done @!p2 $0x0  }
0xe5: {  	s13 =	simm.s32 @!p2 $0x7680;
	[sflag:s26] =	ssyncadd.s32 @!p2 $0xFFFFF800  }
0xe6: {  	[spmem:s4] =	stream.indirect.scatter.add.f32 @!p2 [tilespmem:s13], [sflag:$0x9], $0x8, s11, s14, $0xb8;
	[tilespmem:$0x15A80] =	vst v63  }
0xe7: {  	s11 =	sadd.s32 @!p2 $0x480, s10  }
0xe8: {  	[tilespmem:s12], [sflag:$0x2] =	stream.indirect.gather @!p2 [hbm4b:s6+s14], $0x10, s11, s14, $0xb8;
	[tilespmem:$0x15A80] =	vst v63  }
0xe9: {  	s11 =	sadd.s32 @!p2 $0x400, s7  }
0xea: {  	s11 =	simm.s32 @p2 $0x9400;
	_ =	swait.ge [sflag:s31], $0x800  }
0xeb: {  	[sflag:s31] =	ssyncset.done $0x0;
	s11 =	sshra.s32 s11, $0x2  }
0xec: {  	[sflag:s31] =	ssyncadd.s32 $0xFFFFF800;
	s11 =	sadd.s32 $0x4F00, s11  }
0xed: {  	[spmem:s3] =	stream.indirect.scatter.add.f32 [tilespmem:s29], [sflag:$0xA], $0x10, s11, s24, $0xb8;
	[tilespmem:$0x15A80] =	vst v63  }
0xee: {  	_ =	swait.ge [sflag:s18], $0x800  }
0xef: {  	[sflag:s18] =	ssyncset.done $0x0  }
0xf0: {  	[sflag:s18] =	ssyncadd.s32 $0xFFFFF800  }
0xf1: {  	[spmem:s4] =	stream.indirect.scatter.add.f32 [tilespmem:s20], [sflag:$0x9], $0x8, s11, s24, $0xb8;
	[tilespmem:$0x15A80] =	vst v63  }
0xf2: {  	s11 =	simm.s32 @p2 $0x4  }
0xf3: {  	_ =	swait.ge @p2 [sflag:s11], $0x800  }
0xf4: {  	[sflag:s11] =	ssyncset.done @p2 $0x0  }
0xf5: {  	s12 =	simm.s32 @p2 $0xF680;
	[sflag:s11] =	ssyncadd.s32 @p2 $0xFFFFF800;
	s11 =	simm.s32 @p2 $0x7480  }
0xf6: {  	[spmem:s3] =	stream.indirect.scatter.add.f32 @p2 [tilespmem:s12], [sflag:$0xA], $0x10, s11, s15, $0xb8;
	[tilespmem:$0x15A80] =	vst v63  }
0xf7: {  	_ =	swait.ge @p2 [sflag:s16], $0x800  }
0xf8: {  	[sflag:s16] =	ssyncset.done @p2 $0x0  }
0xf9: {  	[sflag:s16] =	ssyncadd.s32 @p2 $0xFFFFF800  }
0xfa: {  	[spmem:s4] =	stream.indirect.scatter.add.f32 @p2 [tilespmem:s17], [sflag:$0x9], $0x8, s11, s15, $0xb8;
	[tilespmem:$0x15A80] =	vst v63  }
0xfb: {  	s12 =	simm.s32 @!p2 $0xEE80;
	s11 =	sadd.s32 @!p2 $0x500, s10  }
0xfc: {  	[tilespmem:s12], [sflag:$0x3] =	stream.indirect.gather @!p2 [hbm4b:s6+s14], $0x10, s11, s14, $0xb8;
	[tilespmem:$0x15A80] =	vst v63  }
0xfd: {  	s11 =	simm.s32 @!p2 $0x4  }
0xfe: {  	_ =	swait.ge @!p2 [sflag:s11], $0x800  }
0xff: {  	[sflag:s11] =	ssyncset.done @!p2 $0x0  }
0x100: {  	s12 =	simm.s32 @!p2 $0xF680;
	[sflag:s11] =	ssyncadd.s32 @!p2 $0xFFFFF800;
	s11 =	sadd.s32 @!p2 $0x5080, s10  }
0x101: {  	[spmem:s3] =	stream.indirect.scatter.add.f32 @!p2 [tilespmem:s12], [sflag:$0xA], $0x10, s11, s14, $0xb8;
	[tilespmem:$0x15A80] =	vst v63  }
0x102: {  	_ =	swait.ge @!p2 [sflag:s26], $0x800  }
0x103: {  	[sflag:s26] =	ssyncset.done @!p2 $0x0  }
0x104: {  	[sflag:s26] =	ssyncadd.s32 @!p2 $0xFFFFF800  }
0x105: {  	[spmem:s4] =	stream.indirect.scatter.add.f32 @!p2 [tilespmem:s13], [sflag:$0x9], $0x8, s11, s14, $0xb8;
	[tilespmem:$0x15A80] =	vst v63  }
0x106: {  	s11 =	sadd.s32 @!p2 $0x580, s10  }
0x107: {  	[tilespmem:s12], [sflag:$0x4] =	stream.indirect.gather @!p2 [hbm4b:s6+s14], $0x10, s11, s14, $0xb8;
	[tilespmem:$0x15A80] =	vst v63  }
0x108: {  	s11 =	sadd.s32 @!p2 $0x800, s7  }
0x109: {  	s11 =	simm.s32 @p2 $0x9800;
	_ =	swait.ge [sflag:s2], $0x800  }
0x10a: {  	[sflag:s2] =	ssyncset.done $0x0;
	s11 =	sshra.s32 s11, $0x2  }
0x10b: {  	[sflag:s2] =	ssyncadd.s32 $0xFFFFF800;
	s11 =	sadd.s32 $0x4F00, s11  }
0x10c: {  	[spmem:s3] =	stream.indirect.scatter.add.f32 [tilespmem:s0], [sflag:$0xA], $0x10, s11, s24, $0xb8;
	[tilespmem:$0x15A80] =	vst v63  }
0x10d: {  	_ =	swait.ge [sflag:s18], $0x800  }
0x10e: {  	[sflag:s18] =	ssyncset.done $0x0  }
0x10f: {  	[sflag:s18] =	ssyncadd.s32 $0xFFFFF800  }
0x110: {  	[spmem:s4] =	stream.indirect.scatter.add.f32 [tilespmem:s20], [sflag:$0x9], $0x8, s11, s24, $0xb8;
	[tilespmem:$0x15A80] =	vst v63  }
0x111: {  	s11 =	simm.s32 @p2 $0x6  }
0x112: {  	_ =	swait.ge @p2 [sflag:s11], $0x800  }
0x113: {  	[sflag:s11] =	ssyncset.done @p2 $0x0  }
0x114: {  	s12 =	simm.s32 @p2 $0x10680;
	[sflag:s11] =	ssyncadd.s32 @p2 $0xFFFFF800;
	s11 =	simm.s32 @p2 $0x7580  }
0x115: {  	[spmem:s3] =	stream.indirect.scatter.add.f32 @p2 [tilespmem:s12], [sflag:$0xA], $0x10, s11, s15, $0xb8;
	[tilespmem:$0x15A80] =	vst v63  }
0x116: {  	_ =	swait.ge @p2 [sflag:s16], $0x800  }
0x117: {  	[sflag:s16] =	ssyncset.done @p2 $0x0  }
0x118: {  	[sflag:s16] =	ssyncadd.s32 @p2 $0xFFFFF800  }
0x119: {  	[spmem:s4] =	stream.indirect.scatter.add.f32 @p2 [tilespmem:s17], [sflag:$0x9], $0x8, s11, s15, $0xb8;
	[tilespmem:$0x15A80] =	vst v63  }
0x11a: {  	s12 =	simm.s32 @!p2 $0xFE80;
	s11 =	sadd.s32 @!p2 $0x600, s10  }
0x11b: {  	[tilespmem:s12], [sflag:$0x5] =	stream.indirect.gather @!p2 [hbm4b:s6+s14], $0x10, s11, s14, $0xb8;
	[tilespmem:$0x15A80] =	vst v63  }
0x11c: {  	s11 =	simm.s32 @!p2 $0x6  }
0x11d: {  	_ =	swait.ge @!p2 [sflag:s11], $0x800  }
0x11e: {  	[sflag:s11] =	ssyncset.done @!p2 $0x0  }
0x11f: {  	s12 =	simm.s32 @!p2 $0x10680;
	[sflag:s11] =	ssyncadd.s32 @!p2 $0xFFFFF800;
	s11 =	sadd.s32 @!p2 $0x5180, s10  }
0x120: {  	[spmem:s3] =	stream.indirect.scatter.add.f32 @!p2 [tilespmem:s12], [sflag:$0xA], $0x10, s11, s14, $0xb8;
	[tilespmem:$0x15A80] =	vst v63  }
0x121: {  	_ =	swait.ge @!p2 [sflag:s26], $0x800  }
0x122: {  	[sflag:s26] =	ssyncset.done @!p2 $0x0  }
0x123: {  	[sflag:s26] =	ssyncadd.s32 @!p2 $0xFFFFF800  }
0x124: {  	[spmem:s4] =	stream.indirect.scatter.add.f32 @!p2 [tilespmem:s13], [sflag:$0x9], $0x8, s11, s14, $0xb8;
	[tilespmem:$0x15A80] =	vst v63  }
0x125: {  	s11 =	sadd.s32 @!p2 $0x680, s10  }
0x126: {  	[tilespmem:s12], [sflag:$0x6] =	stream.indirect.gather @!p2 [hbm4b:s6+s14], $0x10, s11, s14, $0xb8;
	[tilespmem:$0x15A80] =	vst v63  }
0x127: {  	s11 =	sadd.s32 @!p2 $0xC00, s7  }
0x128: {  	s11 =	simm.s32 @p2 $0x9C00;
	_ =	swait.ge [sflag:s1], $0x800  }
0x129: {  	[sflag:s1] =	ssyncset.done $0x0;
	s11 =	sshra.s32 s11, $0x2  }
0x12a: {  	[sflag:s1] =	ssyncadd.s32 $0xFFFFF800;
	s11 =	sadd.s32 $0x4F00, s11  }
0x12b: {  	[spmem:s3] =	stream.indirect.scatter.add.f32 [tilespmem:s28], [sflag:$0xA], $0x10, s11, s24, $0xb8;
	[tilespmem:$0x15A80] =	vst v63  }
0x12c: {  	_ =	swait.ge [sflag:s18], $0x800  }
0x12d: {  	[sflag:s18] =	ssyncset.done $0x0  }
0x12e: {  	p3 =	sgt.u32 @!p2 s8, $0x4E;
	[sflag:s18] =	ssyncadd.s32 $0xFFFFF800  }
0x12f: {  	[spmem:s4] =	stream.indirect.scatter.add.f32 [tilespmem:s20], [sflag:$0x9], $0x8, s11, s24, $0xb8;
	[tilespmem:$0x15A80] =	vst v63  }
0x130: {  	p4 =	por p3, p2;
	s10 =	sadd.s32 @!p2 $0x700, s10;
	s11 =	simm.s32 @!p2 $0x10E80  }
0x131: {  	[tilespmem:s11], [sflag:$0x7] =	stream.indirect.gather @!p2 [hbm4b:s6+s14], $0x10, s10, s14, $0xb8;
	[tilespmem:$0x15A80] =	vst v63  }
0x132: {  	s10 =	simm.s32 @!p4 $0x8  }
0x133: {  	_ =	swait.ge @!p4 [sflag:s10], $0x800  }
0x134: {  	[sflag:s10] =	ssyncset.done @!p4 $0x0  }
0x135: {  	[sflag:s10] =	ssyncadd.s32 @!p4 $0xFFFFF800;
	s10 =	sshra.s32 @!p4 s7, $0x2  }
0x136: {  	s12 =	simm.s32 @!p4 $0x11680;
	s11 =	simm.s32 @!p4 $0x80;
	s10 =	sadd.s32 @!p4 $0x5280, s10  }
0x137: {  	[spmem:s3] =	stream.indirect.scatter.add.f32 @!p4 [tilespmem:s12], [sflag:$0xA], $0x10, s10, s11, $0xb8;
	[tilespmem:$0x15A80] =	vst v63  }
0x138: {  	s12 =	simm.s32 @!p4 $0xA  }
0x139: {  	_ =	swait.ge @!p4 [sflag:s12], $0x800  }
0x13a: {  	[sflag:s12] =	ssyncset.done @!p4 $0x0  }
0x13b: {  	[sflag:s12] =	ssyncadd.s32 @!p4 $0xFFFFF800;
	s12 =	simm.s32 @!p4 $0x7680  }
0x13c: {  	[spmem:s4] =	stream.indirect.scatter.add.f32 @!p4 [tilespmem:s12], [sflag:$0x9], $0x8, s10, s11, $0xb8;
	[tilespmem:$0x15A80] =	vst v63  }
0x13d: {  	p4 =	sgt.u32 @!p4 s9, $0x7  }
0x13e: {  	p3 =	por @!p2 p4, p3  }
0x13f: {  	p3 =	por p3, p2  }
0x140: {  	s10 =	sshra.s32 @!p3 s7, $0x2;
	s11 =	simm.s32 @!p3 $0x80  }
0x141: {  	s12 =	simm.s32 @!p3 $0x11680;
	s7 =	sadd.s32 @!p2 $0x1000, s7;
	s10 =	sadd.s32 @!p3 $0x780, s10  }
0x142: {  	[tilespmem:s12], [sflag:$0x8] =	stream.indirect.gather @!p3 [hbm4b:s6+s11], $0x10, s10, s11, $0xb8;
	[tilespmem:$0x15A80] =	vst v63  }
0x143: {  	p3 =	sne.s32 @!p2 s7, $0xA000  }
0x144: {  	p3 =	por p2, !p3  }
.Ltmp3:
0x145: {  	_ = 	snop;
	(pc) =	sbr.rel @!p3 .LBB2_4-.Ltmp3, $2  }
0x146: {  	_ =	sdelay $0x2  }
0x147: {  	s8 =	sadd.s32 @!p2 $0x8, s8;
	s9 =	sadd.s32 @!p2 $0x1, s9  }
0x148: {  	_ =	swait.ge [sflag:s19], $0x400  }
0x149: {  	s7 =	simm.s32 $0x4E;
	[sflag:s19] =	ssyncset.done $0x0  }
.LBB2_6:
0x14a: {  	p2 =	sne.s32 s7, $0x1;
	s7 =	sadd.s32 $0xFFFFFFFF, s7;
	[sflag:s19] =	ssyncadd.s32 $0xFFFFFC00  }
.Ltmp4:
0x14b: {  	(pc) =	sbr.rel @p2 .LBB2_6-.Ltmp4, $3  }
0x14c: {  	_ =	sdelay $0x1  }
0x14d: {  	_ =	swait.ge [sflag:s19], $0x400  }
0x14e: {  	[sflag:s19] =	ssyncset.done $0x0  }
0x14f: {  	[sflag:s19] =	ssyncadd.s32 $0xFFFFFC00  }
.Ltmp5:
0x150: {  	s10 =	simm.s32 $0x7A80;
	[bflag:$0x0] =	sbarrier.arrive $0xFFFF;
	(pc) =	sbr.rel @p1 .LBB2_11-.Ltmp5, $4  }
0x151: {  	[tilespmem:s10], [sflag:$0xA] =	stream.linear.gather [spmem:s21], $0x2800, $0x38;
	[tilespmem:$0x15A80] =	vst v63  }
0x152: {  	_ =	swait.ge [sflag:s18], $0x2800  }
0x153: {  	[sflag:s18] =	ssyncset.done $0x0  }
0x154: {  	s11 =	smov.u32 s21;
	[sflag:s18] =	ssyncadd.s32 $0xFFFFD800  }
0x155: {  	s7 =	simm.s32 $0x0;
	s8 =	rddreg [dreg:$0xa];
	s9 =	simm.s32 $0xB680  }
0x156: {  	[tilespmem:s9], [sflag:$0xA] =	stream.linear.gather [hbm4b:s8+s7], $0x2800, $0x38;
	[tilespmem:$0x15A80] =	vst v63  }
0x157: {  	_ =	swait.ge [sflag:s18], $0x2800  }
0x158: {  	[sflag:s18] =	ssyncset.done $0x0  }
0x159: {  	s7 =	simm.s32 $0x0;
	[sflag:s18] =	ssyncadd.s32 $0xFFFFD800  }
0x15a: {  	s8 =	simm.s32 $0x40;
	v1 =	vld [tilespmem:s7+$0xB680]  }
.LBB2_9:
0x15b: {  	p2 =	sne.s32 s8, $0x9FC0;
	v2 =	vld [tilespmem:s7+$0x7A80];
	_ =	sdelay $0x2  }
.Ltmp6:
0x15c: {  	(pc) =	sbr.rel @p2 .LBB2_9-.Ltmp6, $4  }
0x15d: {  	_ = 	snop  }
0x15e: {  	v2 =	vadd.f32 v1, v2  }
0x15f: {  	s9 =	sshra.s32 s8, $0x2  }
0x160: {  	s8 =	sadd.s32 $0x40, s8;
	v1 =	vld [tilespmem:s9+$0xB680];
	[tilespmem:s7+$0x7A80] =	vst v2;
	s7 =	smov.u32 s9  }
.Ltmp7:
0x161: {  	_ = 	snop;
	(pc) =	sbr.rel .LBB2_10-.Ltmp7, $1  }
0x162: {  	_ =	sdelay $0x3  }
.LBB2_12:
0x163: {  	_ =	sfence.sel $0x180000  }
0x164: {  	[bflag:$0x0] =	sbarrier.arrive $0xFFFF  }
0x165: {  	_ =	strace $0x90000047  }
0x166: {  	s0 =	stileid.u32;
	[bflag:$0x2] =	sbarrier.arrive $0xFFFF  }
0x167: {  	p0 =	sne.s32 s0, $0x0;
	s0 =	rddreg [dreg:$0x4]  }
0x168: {  	s0 =	sadd.s32 @!p0 $0x100000, s0  }
0x169: {  	[sflag:s0] =	ssyncadd.tile.s32 @!p0 $0x1;
	_ =	shalt  }
.Lfunc_end2:
_tile_overlayer_lowered:
.L_overlay_start_2:
0x16a: {  	(tag) =	ssettag $0x2  }
0x16b: {  	s0 =	rddreg [dreg:$0x0];
	s2 =	stileid.u32  }
0x16c: {  	s1 =	rddreg [dreg:$0x1];
	p0 =	sne.s32 s2, $0x0  }
0x16d: {  	s3 =	rddreg [dreg:$0x2];
	[bflag:$0x3] =	sbarrier.arrive $0xFFFF;
	s2 =	simm.s32 @!p0 $0x1C0A  }
0x16e: {  	[timem:s3], [sflag:s2] =	dma.local @!p0 [hbm:s0], s1  }
0x16f: {  	s0 =	simm.s32 @!p0 $0xA  }
0x170: {  	_ =	swait.ge @!p0 [sflag:s0], s1  }
0x171: {  	s1 =	ssub.s32 @!p0 $0x0, s1;
	[sflag:s0] =	ssyncset.done @!p0 $0x0  }
0x172: {  	[sflag:s0] =	ssyncadd.s32 @!p0 s1  }
0x173: {  	[bflag:$0x3] =	sbarrier.arrive $0xFFFF  }
0x174: {  	_ =	shalt  }

</sc_bundles>
